<compile_context>
chip_gen: v7x
topology: tpu7x:2x2x1
jax: 0.10.2.dev20260603
libtpu: 0.0.44.dev20260713+nightly
codegen_flags: <defaults>
</compile_context>

<pallas_src>
import functools

import jax
import jax.numpy as jnp
from jax import lax
from jax.experimental import pallas as pl
from jax.experimental.pallas import tpu as pltpu
from jax.experimental.pallas import tpu_sc as plsc

B = 8
N = 16384
S = 512
K = 32
R2 = 0.2 ** 2
NR = 8
NC_ = N // NR
CHUNK = 256
NCHUNKS = N // CHUNK
BIGF = 1e10
BIGI = 1 << 30



def _fps_body(xr_ref, nx_ref, ny_ref, nz_ref, dist_ref):
    x = xr_ref[:, 0]
    y = xr_ref[:, 1]
    z = xr_ref[:, 2]
    li = (lax.broadcasted_iota(jnp.int32, (B, NR, NC_), 1) * NC_
          + lax.broadcasted_iota(jnp.int32, (B, NR, NC_), 2))
    col = lax.broadcasted_iota(jnp.int32, (B, S), 1)
    dist_ref[...] = jnp.full((B, NR, NC_), BIGF, jnp.float32)

    def step(i, far):
        fmask = li == far
        cx = jnp.sum(jnp.where(fmask, x, 0.0), axis=(1, 2), keepdims=True)
        cy = jnp.sum(jnp.where(fmask, y, 0.0), axis=(1, 2), keepdims=True)
        cz = jnp.sum(jnp.where(fmask, z, 0.0), axis=(1, 2), keepdims=True)
        sel = col == i
        nx_ref[...] = jnp.where(sel, cx[:, :, 0], nx_ref[...])
        ny_ref[...] = jnp.where(sel, cy[:, :, 0], ny_ref[...])
        nz_ref[...] = jnp.where(sel, cz[:, :, 0], nz_ref[...])
        dx = x - cx
        dy = y - cy
        dz = z - cz
        d = (dx * dx + dy * dy) + dz * dz
        dist = jnp.minimum(dist_ref[...], d)
        dist_ref[...] = dist
        m = jnp.max(dist, axis=(1, 2), keepdims=True)
        return jnp.min(jnp.where(dist == m, li, BIGI), axis=(1, 2),
                       keepdims=True)

    lax.fori_loop(0, S, step, jnp.zeros((B, 1, 1), jnp.int32))


def _fps(xyz_r):
    out = [jax.ShapeDtypeStruct((B, S), jnp.float32)] * 3
    spec = pl.BlockSpec((B, S), lambda: (0, 0))
    return pl.pallas_call(
        _fps_body,
        in_specs=[pl.BlockSpec((B, 3, NR, NC_), lambda: (0, 0, 0, 0))],
        out_specs=[spec, spec, spec],
        out_shape=out,
        scratch_shapes=[pltpu.VMEM((B, NR, NC_), jnp.float32)],
    )(xyz_r)



def _ballq_body(xt_ref, nx_ref, ny_ref, nz_ref, out_ref):
    b = pl.program_id(0)
    sx = nx_ref[0]
    sy = ny_ref[0]
    sz = nz_ref[0]
    s2 = (sx * sx + sy * sy) + sz * sz
    src = jnp.concatenate([sx, sy, sz], axis=1)
    kio = lax.broadcasted_iota(jnp.int32, (S, K), 1)

    def cond(carry):
        ci, count, _ = carry
        return jnp.logical_and(ci < NCHUNKS, jnp.min(count) < K)

    def body(carry):
        ci, count, idxout = carry
        off = pl.multiple_of(ci * CHUNK, CHUNK)
        dx = xt_ref[0, 0:1, pl.ds(off, CHUNK)]
        dy = xt_ref[0, 1:2, pl.ds(off, CHUNK)]
        dz = xt_ref[0, 2:3, pl.ds(off, CHUNK)]
        dstc = jnp.concatenate([dx, dy, dz], axis=0)
        dot = lax.dot_general(src, dstc, (((1,), (0,)), ((), ())))
        d2 = (dx * dx + dy * dy) + dz * dz
        d = ((-2.0 * dot) + s2) + d2
        gi = lax.broadcasted_iota(jnp.int32, (S, CHUNK), 1) + off
        mi = jnp.where(d > R2, BIGI, gi)

        def ex_cond(c2):
            t, go, _, _, _ = c2
            return jnp.logical_and(t < K, go)

        def extract(c2):
            t, _, count2, idxout2, mi2 = c2
            first = jnp.min(mi2, axis=1, keepdims=True)
            take = jnp.logical_and(first < BIGI, count2 < K)
            upd = jnp.logical_and(kio == count2, take)
            idxout2 = jnp.where(upd, first, idxout2)
            mi2 = jnp.where(mi2 == first, BIGI, mi2)
            count2 = count2 + take.astype(jnp.int32)
            return t + 1, jnp.any(take), count2, idxout2, mi2

        _, _, count, idxout, _ = lax.while_loop(
            ex_cond, extract,
            (jnp.int32(0), jnp.bool_(True), count, idxout, mi))
        return ci + 1, count, idxout

    init = (jnp.int32(0),
            jnp.zeros((S, 1), jnp.int32),
            jnp.zeros((S, K), jnp.int32))
    _, count, idxout = lax.while_loop(cond, body, init)
    idxout = jnp.where(kio >= count, idxout[:, 0:1], idxout)
    out_ref[0] = idxout + b * N


def _ballq(xyz_t, nx, ny, nz):
    nspec = pl.BlockSpec((1, S, 1), lambda b: (b, 0, 0))
    return pl.pallas_call(
        _ballq_body,
        grid=(B,),
        in_specs=[pl.BlockSpec((1, 3, N), lambda b: (b, 0, 0)),
                  nspec, nspec, nspec],
        out_specs=pl.BlockSpec((1, S, K), lambda b: (b, 0, 0)),
        out_shape=jax.ShapeDtypeStruct((B, S, K), jnp.int32),
    )(xyz_t, nx[..., None], ny[..., None], nz[..., None])



ROWS = B * S * K
NW = 32
RPW = ROWS // NW
GC = 128
NCH = RPW // GC
TW = 16


def _sc_gather(table, gidx):
    mesh = plsc.VectorSubcoreMesh(core_axis_name="c", subcore_axis_name="s")

    @functools.partial(
        pl.kernel,
        mesh=mesh,
        compiler_params=pltpu.CompilerParams(use_tc_tiling_on_sc=False),
        out_type=jax.ShapeDtypeStruct((ROWS, TW), jnp.float32),
        scratch_types=[
            pltpu.VMEM((NCH, GC), jnp.int32),
            pltpu.VMEM((GC, TW), jnp.float32),
            pltpu.SemaphoreType.DMA,
        ],
    )
    def k(table_hbm, idx_hbm, out_hbm, idx_v, row_v, sem):
        wid = lax.axis_index("s") * 2 + lax.axis_index("c")
        pltpu.sync_copy(idx_hbm.at[wid], idx_v)
        base = wid * RPW

        def body(c, carry):
            pltpu.async_copy(table_hbm.at[idx_v.at[c]], row_v, sem).wait()
            pltpu.sync_copy(row_v, out_hbm.at[pl.ds(base + c * GC, GC)])
            return carry

        lax.fori_loop(0, NCH, body, jnp.int32(0))

    return k(table, gidx.reshape(NW, NCH, GC))



G = 256
RB = G * K
NBLK = (B * S) // G


def _p1_body(g_ref, nx_ref, w_ref, b_ref, z_ref, s_ref, q_ref, sa, qa):
    i = pl.program_id(0)
    xb = g_ref[...]
    nb = nx_ref[...]
    x0 = (xb - nb[:, None, :]).reshape(RB, TW)
    z = lax.dot_general(x0, w_ref[...], (((1,), (0,)), ((), ()))) + b_ref[...]
    z_ref[...] = z

    @pl.when(i == 0)
    def _():
        sa[...] = jnp.zeros_like(sa)
        qa[...] = jnp.zeros_like(qa)

    sa[...] += jnp.sum(z, axis=0, keepdims=True)
    qa[...] += jnp.sum(z * z, axis=0, keepdims=True)

    @pl.when(i == NBLK - 1)
    def _():
        s_ref[...] = sa[...]
        q_ref[...] = qa[...]


def _p1(gathered, nxpad, w0p, b0):
    co = w0p.shape[1]
    return pl.pallas_call(
        _p1_body,
        grid=(NBLK,),
        in_specs=[
            pl.BlockSpec((G, K, TW), lambda i: (i, 0, 0)),
            pl.BlockSpec((G, TW), lambda i: (i, 0)),
            pl.BlockSpec((TW, co), lambda i: (0, 0)),
            pl.BlockSpec((1, co), lambda i: (0, 0)),
        ],
        out_specs=[
            pl.BlockSpec((RB, co), lambda i: (i, 0)),
            pl.BlockSpec((1, co), lambda i: (0, 0)),
            pl.BlockSpec((1, co), lambda i: (0, 0)),
        ],
        out_shape=[
            jax.ShapeDtypeStruct((ROWS, co), jnp.float32),
            jax.ShapeDtypeStruct((1, co), jnp.float32),
            jax.ShapeDtypeStruct((1, co), jnp.float32),
        ],
        scratch_shapes=[pltpu.VMEM((1, co), jnp.float32),
                        pltpu.VMEM((1, co), jnp.float32)],
    )(gathered.reshape(B * S, K, TW), nxpad, w0p, b0[None, :])


def _pmid_body(z_ref, sc_ref, sh_ref, w_ref, b_ref, z2_ref, s_ref, q_ref,
               sa, qa):
    i = pl.program_id(0)
    y = jnp.maximum(z_ref[...] * sc_ref[...] + sh_ref[...], 0.0)
    z = lax.dot_general(y, w_ref[...], (((1,), (0,)), ((), ()))) + b_ref[...]
    z2_ref[...] = z

    @pl.when(i == 0)
    def _():
        sa[...] = jnp.zeros_like(sa)
        qa[...] = jnp.zeros_like(qa)

    sa[...] += jnp.sum(z, axis=0, keepdims=True)
    qa[...] += jnp.sum(z * z, axis=0, keepdims=True)

    @pl.when(i == NBLK - 1)
    def _():
        s_ref[...] = sa[...]
        q_ref[...] = qa[...]


def _pmid(zin, scale, shift, wp, bv):
    ci = zin.shape[1]
    co = wp.shape[1]
    return pl.pallas_call(
        _pmid_body,
        grid=(NBLK,),
        in_specs=[
            pl.BlockSpec((RB, ci), lambda i: (i, 0)),
            pl.BlockSpec((1, ci), lambda i: (0, 0)),
            pl.BlockSpec((1, ci), lambda i: (0, 0)),
            pl.BlockSpec((ci, co), lambda i: (0, 0)),
            pl.BlockSpec((1, co), lambda i: (0, 0)),
        ],
        out_specs=[
            pl.BlockSpec((RB, co), lambda i: (i, 0)),
            pl.BlockSpec((1, co), lambda i: (0, 0)),
            pl.BlockSpec((1, co), lambda i: (0, 0)),
        ],
        out_shape=[
            jax.ShapeDtypeStruct((ROWS, co), jnp.float32),
            jax.ShapeDtypeStruct((1, co), jnp.float32),
            jax.ShapeDtypeStruct((1, co), jnp.float32),
        ],
        scratch_shapes=[pltpu.VMEM((1, co), jnp.float32),
                        pltpu.VMEM((1, co), jnp.float32)],
    )(zin, scale[None, :], shift[None, :], wp, bv[None, :])


def _p4_body(z_ref, sc_ref, sh_ref, out_ref):
    y = jnp.maximum(z_ref[...] * sc_ref[...][None] + sh_ref[...][None], 0.0)
    out_ref[...] = jnp.max(y, axis=1)


def _p4(z3, scale, shift):
    co = z3.shape[1]
    return pl.pallas_call(
        _p4_body,
        grid=(NBLK,),
        in_specs=[
            pl.BlockSpec((G, K, co), lambda i: (i, 0, 0)),
            pl.BlockSpec((1, co), lambda i: (0, 0)),
            pl.BlockSpec((1, co), lambda i: (0, 0)),
        ],
        out_specs=pl.BlockSpec((G, co), lambda i: (i, 0)),
        out_shape=jax.ShapeDtypeStruct((B * S, co), jnp.float32),
    )(z3.reshape(B * S, K, co), scale[None, :], shift[None, :])


def _stats(s, q, g, bt):
    m = s[0] / ROWS
    v = q[0] / ROWS - m * m
    scale = g * lax.rsqrt(v + 1e-5)
    shift = bt - m * scale
    return scale, shift


def kernel(xyz, points, W0, b0, g0, bt0, W1, b1, g1, bt1, W2, b2, g2, bt2):
    xyz_t = jnp.transpose(xyz, (0, 2, 1))
    xyz_r = xyz_t.reshape(B, 3, NR, NC_)
    nx, ny, nz = _fps(xyz_r)
    gidx = _ballq(xyz_t, nx, ny, nz)

    table = jnp.concatenate(
        [xyz, points, jnp.zeros((B, N, TW - 9), jnp.float32)], axis=-1
    ).reshape(B * N, TW)
    gathered = _sc_gather(table, gidx.reshape(-1))

    new_xyz = jnp.stack([nx, ny, nz], axis=-1)
    nxpad = jnp.concatenate(
        [new_xyz.reshape(B * S, 3), jnp.zeros((B * S, TW - 3), jnp.float32)],
        axis=-1)

    w0p = jnp.zeros((TW, 32), jnp.float32).at[:9, :].set(W0.T)
    z1, s1, q1 = _p1(gathered, nxpad, w0p, b0)
    sc1, sh1 = _stats(s1, q1, g0, bt0)
    z2, s2, q2 = _pmid(z1, sc1, sh1, W1.T, b1)
    sc2, sh2 = _stats(s2, q2, g1, bt1)
    z3, s3, q3 = _pmid(z2, sc2, sh2, W2.T, b2)
    sc3, sh3 = _stats(s3, q3, g2, bt2)
    new_points = _p4(z3, sc3, sh3).reshape(B, S, 64)
    return (new_xyz, new_points)

# --- scband reference (transcript-rebuilt; emitter-appended) ---
"""Pipeline reference for scband-point-net-set-abstraction-70153995813097 (READ-ONLY COPY).

The authoritative reference and input builder live on the scoring server;
editing this copy changes nothing except your own understanding.
"""

import jax, jax.numpy as jnp
import numpy as np

NPOINT = 512
RADIUS = 0.2
NSAMPLE = 32

gather = jax.vmap(lambda p, i: p[i])

def farthest_point_sample(xyz, npoint):
    B, N, _ = xyz.shape
    def body(carry, _):
        distance, farthest = carry
        centroid = xyz[jnp.arange(B), farthest][:, None, :]
        dist = jnp.sum((xyz - centroid) ** 2, -1)
        distance = jnp.minimum(distance, dist)
        new_farthest = jnp.argmax(distance, -1).astype(jnp.int32)
        return (distance, new_farthest), farthest
    init = (jnp.full((B, N), 1e10, dtype=jnp.float32), jnp.zeros((B,), dtype=jnp.int32))
    _, cents = jax.lax.scan(body, init, None, length=npoint)
    return jnp.transpose(cents)  # [B, npoint]

def square_distance(src, dst):
    d = -2.0 * jnp.einsum('bnc,bmc->bnm', src, dst)
    d = d + jnp.sum(src ** 2, -1)[:, :, None]
    d = d + jnp.sum(dst ** 2, -1)[:, None, :]
    return d

def query_ball_point(radius, nsample, xyz, new_xyz):
    B, N, _ = xyz.shape
    S = new_xyz.shape[1]
    sqrdists = square_distance(new_xyz, xyz)
    group_idx = jnp.broadcast_to(jnp.arange(N, dtype=jnp.int32), (B, S, N))
    group_idx = jnp.where(sqrdists > radius ** 2, N, group_idx)
    group_idx = jnp.sort(group_idx, axis=-1)[:, :, :nsample]
    group_first = group_idx[:, :, 0:1]
    group_idx = jnp.where(group_idx == N, group_first, group_idx)
    return group_idx

def setup_inputs(seed: int = 0):
    key = jax.random.key(seed)
    ks = jax.random.split(key, 12)
    inp = {}
    inp['xyz'] = jax.random.uniform(ks[0], (8, 16384, 3), dtype=jnp.float32)
    inp['points'] = jax.random.normal(ks[1], (8, 16384, 6), dtype=jnp.float32)
    last = 9
    for i, out in enumerate([32, 32, 64]):
        inp[f'W{i}'] = jax.random.normal(ks[2 + 3 * i], (out, last), dtype=jnp.float32) * (1.0 / np.sqrt(last))
        inp[f'b{i}'] = jnp.zeros((out,), jnp.float32)
        inp[f'g{i}'] = jnp.ones((out,), jnp.float32)
        inp[f'bt{i}'] = jnp.zeros((out,), jnp.float32)
        last = out
    return inp

def reference(xyz, points, W0, b0, g0, bt0, W1, b1, g1, bt1, W2, b2, g2, bt2):
    fps_idx = farthest_point_sample(xyz, NPOINT)
    new_xyz = gather(xyz, fps_idx)  # [B, S, 3]
    idx = query_ball_point(RADIUS, NSAMPLE, xyz, new_xyz)  # [B, S, K]
    grouped_xyz = gather(xyz, idx)  # [B, S, K, 3]
    grouped_xyz_norm = grouped_xyz - new_xyz[:, :, None, :]
    grouped_points = gather(points, idx)  # [B, S, K, 6]
    x = jnp.concatenate([grouped_xyz_norm, grouped_points], axis=-1)  # [B, S, K, 9]
    for (W, b, g, bt) in ((W0, b0, g0, bt0), (W1, b1, g1, bt1), (W2, b2, g2, bt2)):
        x = jnp.einsum('bskc,oc->bsko', x, W) + b
        mean = jnp.mean(x, axis=(0, 1, 2))
        var = jnp.var(x, axis=(0, 1, 2))
        x = (x - mean) / jnp.sqrt(var + 1e-5) * g + bt
        x = jax.nn.relu(x)
    new_points = jnp.max(x, axis=2)  # [B, S, 64]
    return (new_xyz, new_points)

if __name__ == "__main__":
    import jax
    _d = setup_inputs()
    print(jax.jit(kernel)(*tuple(_d.values())))

</pallas_src>

<mosaic_0001>
#map = affine_map<(d0, d1) -> (0, 0)>
#map1 = affine_map<(d0, d1) -> (0, 0, 0)>
module attributes {stable_mosaic.version = 14 : i64} {
  func.func @k(%arg0: i32, %arg1: i32, %arg2: memref<131072x16xf32, #tpu.memory_space<hbm>>, %arg3: memref<32x32x128xi32, #tpu.memory_space<hbm>>, %arg4: memref<131072x16xf32, #tpu.memory_space<hbm>>, %arg5: memref<32x128xi32, #tpu.memory_space<vmem>>, %arg6: memref<128x16xf32, #tpu.memory_space<vmem>>, %arg7: memref<!tpu.dma_semaphore, #tpu.memory_space<semaphore_mem>>) attributes {dimension_semantics = [#tpu.dimension_semantics<core_parallel>, #tpu.dimension_semantics<subcore_parallel>], iteration_bounds = array<i64: 2, 16>, scalar_prefetch = 0 : i64, scratch_operands = 3 : i64, tpu.core_type = #tpu.core_type<sc_vector_subcore>, window_params = [{transform_indices = #map}, {transform_indices = #map1}, {transform_indices = #map}]} {
    %mul3A = arith.constant 2 : i32
    %mul3A_0 = arith.muli %arg1, %mul3A : i32
    %add3A = arith.addi %mul3A_0, %arg0 : i32
    "tpu.region"() ({
      %run_scoped3A = tpu.sem_alloc : memref<!tpu.dma_semaphore, #tpu.memory_space<semaphore_mem>>
      %dma_start3A = arith.constant 0 : i32
      %dma_start3A_8 = arith.constant 0 : i32
      %dma_start3A_9 = tpu.memref_slice %arg3[%add3A, %dma_start3A, %dma_start3A_8] : memref<32x32x128xi32, #tpu.memory_space<hbm>> -> memref<1x32x128xi32, #tpu.memory_space<hbm>>
      %dma_start3A_10 = tpu.memref_squeeze %dma_start3A_9 : memref<1x32x128xi32, #tpu.memory_space<hbm>> -> memref<32x128xi32, #tpu.memory_space<hbm>>
      %dma_start3A_11 = arith.constant 0 : i32
      %dma_start3A_12 = arith.constant 0 : i32
      %dma_start3A_13 = tpu.memref_slice %arg3[%add3A, %dma_start3A_11, %dma_start3A_12] : memref<32x32x128xi32, #tpu.memory_space<hbm>> -> memref<1x32x128xi32, #tpu.memory_space<hbm>>
      %dma_start3A_14 = tpu.memref_squeeze %dma_start3A_13 : memref<1x32x128xi32, #tpu.memory_space<hbm>> -> memref<32x128xi32, #tpu.memory_space<hbm>>
      tpu.enqueue_dma source(%dma_start3A_14 : memref<32x128xi32, #tpu.memory_space<hbm>>) target(%arg5 : memref<32x128xi32, #tpu.memory_space<vmem>>) target_semaphore(%run_scoped3A : memref<!tpu.dma_semaphore, #tpu.memory_space<semaphore_mem>>)
      %dma_wait3A = arith.constant 0 : i32
      %dma_wait3A_15 = arith.constant 0 : i32
      %dma_wait3A_16 = tpu.memref_slice %arg3[%add3A, %dma_wait3A, %dma_wait3A_15] : memref<32x32x128xi32, #tpu.memory_space<hbm>> -> memref<1x32x128xi32, #tpu.memory_space<hbm>>
      %dma_wait3A_17 = tpu.memref_squeeze %dma_wait3A_16 : memref<1x32x128xi32, #tpu.memory_space<hbm>> -> memref<32x128xi32, #tpu.memory_space<hbm>>
      %dma_wait3A_18 = arith.constant 0 : i32
      %dma_wait3A_19 = arith.constant 0 : i32
      %dma_wait3A_20 = tpu.memref_slice %arg3[%add3A, %dma_wait3A_18, %dma_wait3A_19] : memref<32x32x128xi32, #tpu.memory_space<hbm>> -> memref<1x32x128xi32, #tpu.memory_space<hbm>>
      %dma_wait3A_21 = tpu.memref_squeeze %dma_wait3A_20 : memref<1x32x128xi32, #tpu.memory_space<hbm>> -> memref<32x128xi32, #tpu.memory_space<hbm>>
      tpu.wait_dma2 semaphore(%run_scoped3A : memref<!tpu.dma_semaphore, #tpu.memory_space<semaphore_mem>>) src(%dma_wait3A_21 : memref<32x128xi32, #tpu.memory_space<hbm>>) dst(%arg5 : memref<32x128xi32, #tpu.memory_space<vmem>>)
      tpu.yield
    }) : () -> ()
    %mul3A_1 = arith.constant 4096 : i32
    %mul3A_2 = arith.muli %add3A, %mul3A_1 : i32
    %scan3A = arith.constant 0 : i32
    %scan3A_3 = arith.constant 0 : i32
    %scan3A_4 = arith.constant 32 : i32
    %scan3A_5 = arith.addi %scan3A_3, %scan3A_4 : i32
    %scan3A_6 = arith.constant 1 : i32
    scf.for %scan3A_8 = %scan3A_3 to %scan3A_5 step %scan3A_6  : i32 {
      %dma_start3A = arith.constant 0 : i32
      %dma_start3A_9 = tpu.memref_slice %arg5[%scan3A_8, %dma_start3A] : memref<32x128xi32, #tpu.memory_space<vmem>> -> memref<1x128xi32, #tpu.memory_space<vmem>>
      %dma_start3A_10 = tpu.memref_squeeze %dma_start3A_9 : memref<1x128xi32, #tpu.memory_space<vmem>> -> memref<128xi32, #tpu.memory_space<vmem>>
      %dma_start3A_11 = arith.constant 0 : i32
      %dma_start3A_12 = arith.constant 0 : i32
      %dma_start3A_13 = tpu.memref_slice %arg2[%dma_start3A_11, %dma_start3A_12] : memref<131072x16xf32, #tpu.memory_space<hbm>> -> memref<131072x16xf32, #tpu.memory_space<hbm>>
      tpu.enqueue_indirect_dma source(%dma_start3A_13 : memref<131072x16xf32, #tpu.memory_space<hbm>>) target(%arg6 : memref<128x16xf32, #tpu.memory_space<vmem>>) offsets(%dma_start3A_10 : memref<128xi32, #tpu.memory_space<vmem>>) semaphore(%arg7 : memref<!tpu.dma_semaphore, #tpu.memory_space<semaphore_mem>>)
      %dma_wait3A = arith.constant 0 : i32
      %dma_wait3A_14 = tpu.memref_slice %arg5[%scan3A_8, %dma_wait3A] : memref<32x128xi32, #tpu.memory_space<vmem>> -> memref<1x128xi32, #tpu.memory_space<vmem>>
      %dma_wait3A_15 = tpu.memref_squeeze %dma_wait3A_14 : memref<1x128xi32, #tpu.memory_space<vmem>> -> memref<128xi32, #tpu.memory_space<vmem>>
      %dma_wait3A_16 = arith.constant 0 : i32
      %dma_wait3A_17 = arith.constant 0 : i32
      %dma_wait3A_18 = tpu.memref_slice %arg2[%dma_wait3A_16, %dma_wait3A_17] : memref<131072x16xf32, #tpu.memory_space<hbm>> -> memref<131072x16xf32, #tpu.memory_space<hbm>>
      tpu.wait_indirect_dma semaphore(%arg7 : memref<!tpu.dma_semaphore, #tpu.memory_space<semaphore_mem>>) src(%dma_wait3A_18 : memref<131072x16xf32, #tpu.memory_space<hbm>>) dst(%arg6 : memref<128x16xf32, #tpu.memory_space<vmem>>)
      %mul3A_19 = arith.constant 128 : i32
      %mul3A_20 = arith.muli %scan3A_8, %mul3A_19 : i32
      %add3A_21 = arith.addi %mul3A_2, %mul3A_20 : i32
      "tpu.region"() ({
        %run_scoped3A = tpu.sem_alloc : memref<!tpu.dma_semaphore, #tpu.memory_space<semaphore_mem>>
        %dma_start3A_22 = arith.constant 0 : i32
        %dma_start3A_23 = tpu.memref_slice %arg4[%add3A_21, %dma_start3A_22] : memref<131072x16xf32, #tpu.memory_space<hbm>> -> memref<128x16xf32, #tpu.memory_space<hbm>>
        %dma_start3A_24 = arith.constant 0 : i32
        %dma_start3A_25 = tpu.memref_slice %arg4[%add3A_21, %dma_start3A_24] : memref<131072x16xf32, #tpu.memory_space<hbm>> -> memref<128x16xf32, #tpu.memory_space<hbm>>
        tpu.enqueue_dma source(%arg6 : memref<128x16xf32, #tpu.memory_space<vmem>>) target(%dma_start3A_25 : memref<128x16xf32, #tpu.memory_space<hbm>>) target_semaphore(%run_scoped3A : memref<!tpu.dma_semaphore, #tpu.memory_space<semaphore_mem>>)
        %dma_wait3A_26 = arith.constant 0 : i32
        %dma_wait3A_27 = tpu.memref_slice %arg4[%add3A_21, %dma_wait3A_26] : memref<131072x16xf32, #tpu.memory_space<hbm>> -> memref<128x16xf32, #tpu.memory_space<hbm>>
        %dma_wait3A_28 = arith.constant 0 : i32
        %dma_wait3A_29 = tpu.memref_slice %arg4[%add3A_21, %dma_wait3A_28] : memref<131072x16xf32, #tpu.memory_space<hbm>> -> memref<128x16xf32, #tpu.memory_space<hbm>>
        tpu.wait_dma2 semaphore(%run_scoped3A : memref<!tpu.dma_semaphore, #tpu.memory_space<semaphore_mem>>) src(%arg6 : memref<128x16xf32, #tpu.memory_space<vmem>>) dst(%dma_wait3A_29 : memref<128x16xf32, #tpu.memory_space<hbm>>)
        tpu.yield
      }) : () -> ()
    }
    %scan3A_7 = arith.constant 32 : i32
    return
  }
}

module attributes {stable_mosaic.version = 14 : i64} {
  func.func @_fps_body(%arg0: memref<8x3x8x2048xf32, #tpu.memory_space<vmem>>, %arg1: memref<8x512xf32, #tpu.memory_space<vmem>>, %arg2: memref<8x512xf32, #tpu.memory_space<vmem>>, %arg3: memref<8x512xf32, #tpu.memory_space<vmem>>, %arg4: memref<8x8x2048xf32, #tpu.memory_space<vmem>>) attributes {dimension_semantics = [], scalar_prefetch = 0 : i64, scratch_operands = 1 : i64, tpu.core_type = #tpu.core_type<tc>} {
    %get3A = arith.constant 0 : index
    %get3A_0 = arith.constant 0 : index
    %get3A_1 = arith.constant 0 : index
    %get3A_2 = arith.constant 0 : index
    %get3A_3 = vector.load %arg0[%get3A, %get3A_0, %get3A_1, %get3A_2] : memref<8x3x8x2048xf32, #tpu.memory_space<vmem>>, vector<8x1x8x2048xf32>
    %get3A_4 = vector.shape_cast %get3A_3 : vector<8x1x8x2048xf32> to vector<8x8x2048xf32>
    %get3A_5 = arith.constant 0 : index
    %get3A_6 = arith.constant 1 : index
    %get3A_7 = arith.constant 0 : index
    %get3A_8 = arith.constant 0 : index
    %get3A_9 = vector.load %arg0[%get3A_5, %get3A_6, %get3A_7, %get3A_8] : memref<8x3x8x2048xf32, #tpu.memory_space<vmem>>, vector<8x1x8x2048xf32>
    %get3A_10 = vector.shape_cast %get3A_9 : vector<8x1x8x2048xf32> to vector<8x8x2048xf32>
    %get3A_11 = arith.constant 0 : index
    %get3A_12 = arith.constant 2 : index
    %get3A_13 = arith.constant 0 : index
    %get3A_14 = arith.constant 0 : index
    %get3A_15 = vector.load %arg0[%get3A_11, %get3A_12, %get3A_13, %get3A_14] : memref<8x3x8x2048xf32, #tpu.memory_space<vmem>>, vector<8x1x8x2048xf32>
    %get3A_16 = vector.shape_cast %get3A_15 : vector<8x1x8x2048xf32> to vector<8x8x2048xf32>
    %iota3A = tpu.iota {dimensions = array<i32: 1>} : vector<8x8x2048xi32>
    %mul3A = arith.constant 2048 : i32
    %mul3A_17 = vector.broadcast %mul3A : i32 to vector<8x8x2048xi32>
    %mul3A_18 = arith.muli %iota3A, %mul3A_17 : vector<8x8x2048xi32>
    %iota3A_19 = tpu.iota {dimensions = array<i32: 2>} : vector<8x8x2048xi32>
    %add3A = arith.addi %mul3A_18, %iota3A_19 : vector<8x8x2048xi32>
    %iota3A_20 = tpu.iota {dimensions = array<i32: 1>} : vector<8x512xi32>
    %broadcast_in_dim3A = arith.constant 1.000000e+10 : f32
    %broadcast_in_dim3A_21 = vector.broadcast %broadcast_in_dim3A : f32 to vector<8x8x2048xf32>
    %swap3A = arith.constant 0 : index
    %swap3A_22 = arith.constant 0 : index
    %swap3A_23 = arith.constant 0 : index
    %swap3A_24 = vector.load %arg4[%swap3A, %swap3A_22, %swap3A_23] : memref<8x8x2048xf32, #tpu.memory_space<vmem>>, vector<8x8x2048xf32>
    tpu.vector_store %arg4[%swap3A, %swap3A_22, %swap3A_23], %broadcast_in_dim3A_21 {strides = array<i32>} : memref<8x8x2048xf32, #tpu.memory_space<vmem>>, vector<8x8x2048xf32>,
    %broadcast_in_dim3A_25 = arith.constant 0 : i32
    %broadcast_in_dim3A_26 = vector.broadcast %broadcast_in_dim3A_25 : i32 to vector<8x1x1xi32>
    %scan3A = arith.constant 0 : i32
    %scan3A_27 = arith.constant 512 : i32
    %scan3A_28 = arith.addi %scan3A, %scan3A_27 : i32
    %scan3A_29 = arith.constant 1 : i32
    %scan3A_30 = scf.for %scan3A_32 = %scan3A to %scan3A_28 step %scan3A_29 iter_args(%scan3A_33 = %broadcast_in_dim3A_26) -> (vector<8x1x1xi32>)  : i32 {
      %eq3A = vector.broadcast %scan3A_33 : vector<8x1x1xi32> to vector<8x8x2048xi32>
      %eq3A_34 = arith.cmpi eq, %add3A, %eq3A : vector<8x8x2048xi32>
      %jit3A = arith.constant 0.000000e+00 : f32
      %broadcast_in_dim3A_35 = vector.broadcast %jit3A : f32 to vector<8x8x2048xf32>
      %select_n3A = arith.select %eq3A_34, %get3A_4, %broadcast_in_dim3A_35 : vector<8x8x2048xi1>, vector<8x8x2048xf32>
      %reduce_sum3A = arith.constant dense<0.000000e+00> : vector<8xf32>
      %reduce_sum3A_36 = vector.multi_reduction <add>, %select_n3A, %reduce_sum3A [1, 2] : vector<8x8x2048xf32> to vector<8xf32>
      %broadcast_in_dim3A_37 = vector.shape_cast %reduce_sum3A_36 : vector<8xf32> to vector<8x1x1xf32>
      %jit3A_38 = arith.constant 0.000000e+00 : f32
      %broadcast_in_dim3A_39 = vector.broadcast %jit3A_38 : f32 to vector<8x8x2048xf32>
      %select_n3A_40 = arith.select %eq3A_34, %get3A_10, %broadcast_in_dim3A_39 : vector<8x8x2048xi1>, vector<8x8x2048xf32>
      %reduce_sum3A_41 = arith.constant dense<0.000000e+00> : vector<8xf32>
      %reduce_sum3A_42 = vector.multi_reduction <add>, %select_n3A_40, %reduce_sum3A_41 [1, 2] : vector<8x8x2048xf32> to vector<8xf32>
      %broadcast_in_dim3A_43 = vector.shape_cast %reduce_sum3A_42 : vector<8xf32> to vector<8x1x1xf32>
      %jit3A_44 = arith.constant 0.000000e+00 : f32
      %broadcast_in_dim3A_45 = vector.broadcast %jit3A_44 : f32 to vector<8x8x2048xf32>
      %select_n3A_46 = arith.select %eq3A_34, %get3A_16, %broadcast_in_dim3A_45 : vector<8x8x2048xi1>, vector<8x8x2048xf32>
      %reduce_sum3A_47 = arith.constant dense<0.000000e+00> : vector<8xf32>
      %reduce_sum3A_48 = vector.multi_reduction <add>, %select_n3A_46, %reduce_sum3A_47 [1, 2] : vector<8x8x2048xf32> to vector<8xf32>
      %broadcast_in_dim3A_49 = vector.shape_cast %reduce_sum3A_48 : vector<8xf32> to vector<8x1x1xf32>
      %eq3A_50 = vector.broadcast %scan3A_32 : i32 to vector<8x512xi32>
      %eq3A_51 = arith.cmpi eq, %iota3A_20, %eq3A_50 : vector<8x512xi32>
      %squeeze3A = vector.shape_cast %broadcast_in_dim3A_37 : vector<8x1x1xf32> to vector<8x1xf32>
      %get3A_52 = arith.constant 0 : index
      %get3A_53 = arith.constant 0 : index
      %get3A_54 = vector.load %arg1[%get3A_52, %get3A_53] : memref<8x512xf32, #tpu.memory_space<vmem>>, vector<8x512xf32>
      %broadcast_in_dim3A_55 = vector.shape_cast %squeeze3A : vector<8x1xf32> to vector<8x1xf32>
      %broadcast_in_dim3A_56 = vector.broadcast %broadcast_in_dim3A_55 : vector<8x1xf32> to vector<8x512xf32>
      %select_n3A_57 = arith.select %eq3A_51, %broadcast_in_dim3A_56, %get3A_54 : vector<8x512xi1>, vector<8x512xf32>
      %swap3A_58 = arith.constant 0 : index
      %swap3A_59 = arith.constant 0 : index
      %swap3A_60 = vector.load %arg1[%swap3A_58, %swap3A_59] : memref<8x512xf32, #tpu.memory_space<vmem>>, vector<8x512xf32>
      tpu.vector_store %arg1[%swap3A_58, %swap3A_59], %select_n3A_57 {strides = array<i32>} : memref<8x512xf32, #tpu.memory_space<vmem>>, vector<8x512xf32>,
      %squeeze3A_61 = vector.shape_cast %broadcast_in_dim3A_43 : vector<8x1x1xf32> to vector<8x1xf32>
      %get3A_62 = arith.constant 0 : index
      %get3A_63 = arith.constant 0 : index
      %get3A_64 = vector.load %arg2[%get3A_62, %get3A_63] : memref<8x512xf32, #tpu.memory_space<vmem>>, vector<8x512xf32>
      %broadcast_in_dim3A_65 = vector.shape_cast %squeeze3A_61 : vector<8x1xf32> to vector<8x1xf32>
      %broadcast_in_dim3A_66 = vector.broadcast %broadcast_in_dim3A_65 : vector<8x1xf32> to vector<8x512xf32>
      %select_n3A_67 = arith.select %eq3A_51, %broadcast_in_dim3A_66, %get3A_64 : vector<8x512xi1>, vector<8x512xf32>
      %swap3A_68 = arith.constant 0 : index
      %swap3A_69 = arith.constant 0 : index
      %swap3A_70 = vector.load %arg2[%swap3A_68, %swap3A_69] : memref<8x512xf32, #tpu.memory_space<vmem>>, vector<8x512xf32>
      tpu.vector_store %arg2[%swap3A_68, %swap3A_69], %select_n3A_67 {strides = array<i32>} : memref<8x512xf32, #tpu.memory_space<vmem>>, vector<8x512xf32>,
      %squeeze3A_71 = vector.shape_cast %broadcast_in_dim3A_49 : vector<8x1x1xf32> to vector<8x1xf32>
      %get3A_72 = arith.constant 0 : index
      %get3A_73 = arith.constant 0 : index
      %get3A_74 = vector.load %arg3[%get3A_72, %get3A_73] : memref<8x512xf32, #tpu.memory_space<vmem>>, vector<8x512xf32>
      %broadcast_in_dim3A_75 = vector.shape_cast %squeeze3A_71 : vector<8x1xf32> to vector<8x1xf32>
      %broadcast_in_dim3A_76 = vector.broadcast %broadcast_in_dim3A_75 : vector<8x1xf32> to vector<8x512xf32>
      %select_n3A_77 = arith.select %eq3A_51, %broadcast_in_dim3A_76, %get3A_74 : vector<8x512xi1>, vector<8x512xf32>
      %swap3A_78 = arith.constant 0 : index
      %swap3A_79 = arith.constant 0 : index
      %swap3A_80 = vector.load %arg3[%swap3A_78, %swap3A_79] : memref<8x512xf32, #tpu.memory_space<vmem>>, vector<8x512xf32>
      tpu.vector_store %arg3[%swap3A_78, %swap3A_79], %select_n3A_77 {strides = array<i32>} : memref<8x512xf32, #tpu.memory_space<vmem>>, vector<8x512xf32>,
      %sub3A = vector.broadcast %broadcast_in_dim3A_37 : vector<8x1x1xf32> to vector<8x8x2048xf32>
      %sub3A_81 = arith.subf %get3A_4, %sub3A : vector<8x8x2048xf32>
      %sub3A_82 = vector.broadcast %broadcast_in_dim3A_43 : vector<8x1x1xf32> to vector<8x8x2048xf32>
      %sub3A_83 = arith.subf %get3A_10, %sub3A_82 : vector<8x8x2048xf32>
      %sub3A_84 = vector.broadcast %broadcast_in_dim3A_49 : vector<8x1x1xf32> to vector<8x8x2048xf32>
      %sub3A_85 = arith.subf %get3A_16, %sub3A_84 : vector<8x8x2048xf32>
      %mul3A_86 = arith.mulf %sub3A_81, %sub3A_81 : vector<8x8x2048xf32>
      %mul3A_87 = arith.mulf %sub3A_83, %sub3A_83 : vector<8x8x2048xf32>
      %add3A_88 = arith.addf %mul3A_86, %mul3A_87 : vector<8x8x2048xf32>
      %mul3A_89 = arith.mulf %sub3A_85, %sub3A_85 : vector<8x8x2048xf32>
      %add3A_90 = arith.addf %add3A_88, %mul3A_89 : vector<8x8x2048xf32>
      %get3A_91 = arith.constant 0 : index
      %get3A_92 = arith.constant 0 : index
      %get3A_93 = arith.constant 0 : index
      %get3A_94 = vector.load %arg4[%get3A_91, %get3A_92, %get3A_93] : memref<8x8x2048xf32, #tpu.memory_space<vmem>>, vector<8x8x2048xf32>
      %min3A = arith.minimumf %get3A_94, %add3A_90 : vector<8x8x2048xf32>
      %swap3A_95 = arith.constant 0 : index
      %swap3A_96 = arith.constant 0 : index
      %swap3A_97 = arith.constant 0 : index
      %swap3A_98 = vector.load %arg4[%swap3A_95, %swap3A_96, %swap3A_97] : memref<8x8x2048xf32, #tpu.memory_space<vmem>>, vector<8x8x2048xf32>
      tpu.vector_store %arg4[%swap3A_95, %swap3A_96, %swap3A_97], %min3A {strides = array<i32>} : memref<8x8x2048xf32, #tpu.memory_space<vmem>>, vector<8x8x2048xf32>,
      %reduce_max3A = arith.constant dense<0xFF800000> : vector<8xf32>
      %reduce_max3A_99 = vector.multi_reduction <maximumf>, %min3A, %reduce_max3A [1, 2] : vector<8x8x2048xf32> to vector<8xf32>
      %broadcast_in_dim3A_100 = vector.shape_cast %reduce_max3A_99 : vector<8xf32> to vector<8x1x1xf32>
      %eq3A_101 = vector.broadcast %broadcast_in_dim3A_100 : vector<8x1x1xf32> to vector<8x8x2048xf32>
      %eq3A_102 = arith.cmpf oeq, %min3A, %eq3A_101 : vector<8x8x2048xf32>
      %jit3A_103 = arith.constant 1073741824 : i32
      %broadcast_in_dim3A_104 = vector.broadcast %jit3A_103 : i32 to vector<8x8x2048xi32>
      %select_n3A_105 = arith.select %eq3A_102, %add3A, %broadcast_in_dim3A_104 : vector<8x8x2048xi1>, vector<8x8x2048xi32>
      %reduce_min3A = arith.constant dense<2147483647> : vector<8xi32>
      %reduce_min3A_106 = vector.multi_reduction <minsi>, %select_n3A_105, %reduce_min3A [1, 2] : vector<8x8x2048xi32> to vector<8xi32>
      %broadcast_in_dim3A_107 = vector.shape_cast %reduce_min3A_106 : vector<8xi32> to vector<8x1x1xi32>
      scf.yield %broadcast_in_dim3A_107 : vector<8x1x1xi32>
    }
    %scan3A_31 = arith.constant 512 : i32
    return
  }
}

module attributes {stable_mosaic.version = 14 : i64} {
  func.func @_ballq_body(%arg0: i32, %arg1: memref<1x3x16384xf32, #tpu.memory_space<vmem>>, %arg2: memref<1x512x1xf32, #tpu.memory_space<vmem>>, %arg3: memref<1x512x1xf32, #tpu.memory_space<vmem>>, %arg4: memref<1x512x1xf32, #tpu.memory_space<vmem>>, %arg5: memref<1x512x32xi32, #tpu.memory_space<vmem>>) attributes {dimension_semantics = [#tpu.dimension_semantics<arbitrary>], iteration_bounds = array<i64: 8>, scalar_prefetch = 0 : i64, scratch_operands = 0 : i64, tpu.core_type = #tpu.core_type<tc>, window_params = [{transform_indices = @transform_0, window_bounds = array<i64: 1, 3, 16384>}, {transform_indices = @transform_1, window_bounds = array<i64: 1, 512, 1>}, {transform_indices = @transform_2, window_bounds = array<i64: 1, 512, 1>}, {transform_indices = @transform_3, window_bounds = array<i64: 1, 512, 1>}, {transform_indices = @transform_4, window_bounds = array<i64: 1, 512, 32>}]} {
    %get3A = arith.constant 0 : index
    %get3A_0 = arith.constant 0 : index
    %get3A_1 = arith.constant 0 : index
    %get3A_2 = vector.load %arg2[%get3A, %get3A_0, %get3A_1] : memref<1x512x1xf32, #tpu.memory_space<vmem>>, vector<1x512x1xf32>
    %get3A_3 = vector.shape_cast %get3A_2 : vector<1x512x1xf32> to vector<512x1xf32>
    %get3A_4 = arith.constant 0 : index
    %get3A_5 = arith.constant 0 : index
    %get3A_6 = arith.constant 0 : index
    %get3A_7 = vector.load %arg3[%get3A_4, %get3A_5, %get3A_6] : memref<1x512x1xf32, #tpu.memory_space<vmem>>, vector<1x512x1xf32>
    %get3A_8 = vector.shape_cast %get3A_7 : vector<1x512x1xf32> to vector<512x1xf32>
    %get3A_9 = arith.constant 0 : index
    %get3A_10 = arith.constant 0 : index
    %get3A_11 = arith.constant 0 : index
    %get3A_12 = vector.load %arg4[%get3A_9, %get3A_10, %get3A_11] : memref<1x512x1xf32, #tpu.memory_space<vmem>>, vector<1x512x1xf32>
    %get3A_13 = vector.shape_cast %get3A_12 : vector<1x512x1xf32> to vector<512x1xf32>
    %mul3A = arith.mulf %get3A_3, %get3A_3 : vector<512x1xf32>
    %mul3A_14 = arith.mulf %get3A_8, %get3A_8 : vector<512x1xf32>
    %add3A = arith.addf %mul3A, %mul3A_14 : vector<512x1xf32>
    %mul3A_15 = arith.mulf %get3A_13, %get3A_13 : vector<512x1xf32>
    %add3A_16 = arith.addf %add3A, %mul3A_15 : vector<512x1xf32>
    %concatenate3A = tpu.concatenate %get3A_3, %get3A_8, %get3A_13 in 1 : vector<512x1xf32>, vector<512x1xf32>, vector<512x1xf32> -> vector<512x3xf32>
    %iota3A = tpu.iota {dimensions = array<i32: 1>} : vector<512x32xi32>
    %broadcast_in_dim3A = arith.constant 0 : i32
    %broadcast_in_dim3A_17 = vector.broadcast %broadcast_in_dim3A : i32 to vector<512x1xi32>
    %broadcast_in_dim3A_18 = arith.constant 0 : i32
    %broadcast_in_dim3A_19 = vector.broadcast %broadcast_in_dim3A_18 : i32 to vector<512x32xi32>
    %while3A = arith.constant 0 : i32
    %while3A_20:3 = scf.while (%while3A_33 = %while3A, %while3A_34 = %broadcast_in_dim3A_17, %while3A_35 = %broadcast_in_dim3A_19) : (i32, vector<512x1xi32>, vector<512x32xi32>) -> (i32, vector<512x1xi32>, vector<512x32xi32>) {
      %lt3A = arith.constant 64 : i32
      %lt3A_36 = arith.cmpi slt, %while3A_33, %lt3A : i32
      %reduce_min3A = vector.shape_cast %while3A_34 : vector<512x1xi32> to vector<1x512x1xi32>
      %reduce_min3A_37 = arith.constant dense<2147483647> : vector<1xi32>
      %reduce_min3A_38 = vector.multi_reduction <minsi>, %reduce_min3A, %reduce_min3A_37 [1, 2] : vector<1x512x1xi32> to vector<1xi32>
      %reduce_min3A_39 = vector.shape_cast %reduce_min3A_38 : vector<1xi32> to vector<1x1x1xi32>
      %reduce_min3A_40 = vector.extract %reduce_min3A_39[0, 0, 0] : i32 from vector<1x1x1xi32>
      %lt3A_41 = arith.constant 32 : i32
      %lt3A_42 = arith.cmpi slt, %reduce_min3A_40, %lt3A_41 : i32
      %and3A = arith.andi %lt3A_36, %lt3A_42 : i1
      scf.condition(%and3A) %while3A_33, %while3A_34, %while3A_35 : i32, vector<512x1xi32>, vector<512x32xi32>
    } do {
    ^bb0(%while3A_33: i32, %while3A_34: vector<512x1xi32>, %while3A_35: vector<512x32xi32>):
      %mul3A_36 = arith.constant 256 : i32
      %mul3A_37 = arith.muli %while3A_33, %mul3A_36 : i32
      %multiple_of3A = tpu.assume_multiple %mul3A_37, 256 : i32
      %get3A_38 = arith.constant 0 : index
      %get3A_39 = arith.constant 0 : index
      %get3A_40 = arith.index_cast %multiple_of3A : i32 to index
      %get3A_41 = vector.load %arg1[%get3A_38, %get3A_39, %get3A_40] : memref<1x3x16384xf32, #tpu.memory_space<vmem>>, vector<1x1x256xf32>
      %get3A_42 = vector.shape_cast %get3A_41 : vector<1x1x256xf32> to vector<1x256xf32>
      %get3A_43 = arith.constant 0 : index
      %get3A_44 = arith.constant 1 : index
      %get3A_45 = arith.index_cast %multiple_of3A : i32 to index
      %get3A_46 = vector.load %arg1[%get3A_43, %get3A_44, %get3A_45] : memref<1x3x16384xf32, #tpu.memory_space<vmem>>, vector<1x1x256xf32>
      %get3A_47 = vector.shape_cast %get3A_46 : vector<1x1x256xf32> to vector<1x256xf32>
      %get3A_48 = arith.constant 0 : index
      %get3A_49 = arith.constant 2 : index
      %get3A_50 = arith.index_cast %multiple_of3A : i32 to index
      %get3A_51 = vector.load %arg1[%get3A_48, %get3A_49, %get3A_50] : memref<1x3x16384xf32, #tpu.memory_space<vmem>>, vector<1x1x256xf32>
      %get3A_52 = vector.shape_cast %get3A_51 : vector<1x1x256xf32> to vector<1x256xf32>
      %concatenate3A_53 = tpu.concatenate %get3A_42, %get3A_47, %get3A_52 in 0 : vector<1x256xf32>, vector<1x256xf32>, vector<1x256xf32> -> vector<3x256xf32>
      %dot_general3A = arith.constant dense<0.000000e+00> : vector<512x256xf32>
      %dot_general3A_54 = tpu.matmul %concatenate3A, %concatenate3A_53, %dot_general3A {dimension_numbers = #tpu.dot_dimension_numbers<[1], [0], [0], [1], [0, 0, 1, 1], [], []>, transpose_lhs_hint = false} : vector<512x3xf32>, vector<3x256xf32>, vector<512x256xf32> -> vector<512x256xf32>
      %mul3A_55 = arith.mulf %get3A_42, %get3A_42 : vector<1x256xf32>
      %mul3A_56 = arith.mulf %get3A_47, %get3A_47 : vector<1x256xf32>
      %add3A_57 = arith.addf %mul3A_55, %mul3A_56 : vector<1x256xf32>
      %mul3A_58 = arith.mulf %get3A_52, %get3A_52 : vector<1x256xf32>
      %add3A_59 = arith.addf %add3A_57, %mul3A_58 : vector<1x256xf32>
      %mul3A_60 = arith.constant -2.000000e+00 : f32
      %mul3A_61 = vector.broadcast %mul3A_60 : f32 to vector<512x256xf32>
      %mul3A_62 = arith.mulf %mul3A_61, %dot_general3A_54 : vector<512x256xf32>
      %add3A_63 = vector.broadcast %add3A_16 : vector<512x1xf32> to vector<512x256xf32>
      %add3A_64 = arith.addf %mul3A_62, %add3A_63 : vector<512x256xf32>
      %add3A_65 = vector.broadcast %add3A_59 : vector<1x256xf32> to vector<512x256xf32>
      %add3A_66 = arith.addf %add3A_64, %add3A_65 : vector<512x256xf32>
      %iota3A_67 = tpu.iota {dimensions = array<i32: 1>} : vector<512x256xi32>
      %add3A_68 = vector.broadcast %multiple_of3A : i32 to vector<512x256xi32>
      %add3A_69 = arith.addi %iota3A_67, %add3A_68 : vector<512x256xi32>
      %gt3A = arith.constant 4.000000e-02 : f32
      %gt3A_70 = vector.broadcast %gt3A : f32 to vector<512x256xf32>
      %gt3A_71 = arith.cmpf ogt, %add3A_66, %gt3A_70 : vector<512x256xf32>
      %jit3A = arith.constant 1073741824 : i32
      %broadcast_in_dim3A_72 = vector.broadcast %jit3A : i32 to vector<512x256xi32>
      %select_n3A_73 = arith.select %gt3A_71, %broadcast_in_dim3A_72, %add3A_69 : vector<512x256xi1>, vector<512x256xi32>
      %while3A_74 = arith.constant 0 : i32
      %while3A_75 = arith.constant true
      %while3A_76:5 = scf.while (%while3A_79 = %while3A_74, %while3A_80 = %while3A_75, %while3A_81 = %while3A_34, %while3A_82 = %while3A_35, %while3A_83 = %select_n3A_73) : (i32, i1, vector<512x1xi32>, vector<512x32xi32>, vector<512x256xi32>) -> (i32, i1, vector<512x1xi32>, vector<512x32xi32>, vector<512x256xi32>) {
        %lt3A = arith.constant 32 : i32
        %lt3A_84 = arith.cmpi slt, %while3A_79, %lt3A : i32
        %and3A = arith.andi %lt3A_84, %while3A_80 : i1
        scf.condition(%and3A) %while3A_79, %while3A_80, %while3A_81, %while3A_82, %while3A_83 : i32, i1, vector<512x1xi32>, vector<512x32xi32>, vector<512x256xi32>
      } do {
      ^bb0(%while3A_79: i32, %while3A_80: i1, %while3A_81: vector<512x1xi32>, %while3A_82: vector<512x32xi32>, %while3A_83: vector<512x256xi32>):
        %reduce_min3A = arith.constant dense<2147483647> : vector<512xi32>
        %reduce_min3A_84 = vector.multi_reduction <minsi>, %while3A_83, %reduce_min3A [1] : vector<512x256xi32> to vector<512xi32>
        %broadcast_in_dim3A_85 = vector.shape_cast %reduce_min3A_84 : vector<512xi32> to vector<512x1xi32>
        %lt3A = arith.constant 1073741824 : i32
        %lt3A_86 = vector.broadcast %lt3A : i32 to vector<512x1xi32>
        %lt3A_87 = arith.cmpi slt, %broadcast_in_dim3A_85, %lt3A_86 : vector<512x1xi32>
        %lt3A_88 = arith.constant 32 : i32
        %lt3A_89 = vector.broadcast %lt3A_88 : i32 to vector<512x1xi32>
        %lt3A_90 = arith.cmpi slt, %while3A_81, %lt3A_89 : vector<512x1xi32>
        %and3A = arith.andi %lt3A_87, %lt3A_90 : vector<512x1xi1>
        %eq3A = vector.broadcast %while3A_81 : vector<512x1xi32> to vector<512x32xi32>
        %eq3A_91 = arith.cmpi eq, %iota3A, %eq3A : vector<512x32xi32>
        %and3A_92 = vector.broadcast %and3A : vector<512x1xi1> to vector<512x32xi1>
        %and3A_93 = arith.andi %eq3A_91, %and3A_92 : vector<512x32xi1>
        %broadcast_in_dim3A_94 = vector.shape_cast %broadcast_in_dim3A_85 : vector<512x1xi32> to vector<512x1xi32>
        %broadcast_in_dim3A_95 = vector.broadcast %broadcast_in_dim3A_94 : vector<512x1xi32> to vector<512x32xi32>
        %select_n3A_96 = arith.select %and3A_93, %broadcast_in_dim3A_95, %while3A_82 : vector<512x32xi1>, vector<512x32xi32>
        %eq3A_97 = vector.broadcast %broadcast_in_dim3A_85 : vector<512x1xi32> to vector<512x256xi32>
        %eq3A_98 = arith.cmpi eq, %while3A_83, %eq3A_97 : vector<512x256xi32>
        %jit3A_99 = arith.constant 1073741824 : i32
        %broadcast_in_dim3A_100 = vector.broadcast %jit3A_99 : i32 to vector<512x256xi32>
        %select_n3A_101 = arith.select %eq3A_98, %broadcast_in_dim3A_100, %while3A_83 : vector<512x256xi1>, vector<512x256xi32>
        %convert_element_type3A = arith.extui %and3A : vector<512x1xi1> to vector<512x1xi32>
        %add3A_102 = arith.addi %while3A_81, %convert_element_type3A : vector<512x1xi32>
        %add3A_103 = arith.constant 1 : i32
        %add3A_104 = arith.addi %while3A_79, %add3A_103 : i32
        %reduce_or3A = arith.constant 1.000000e+00 : f32
        %reduce_or3A_105 = arith.constant 0.000000e+00 : f32
        %reduce_or3A_106 = vector.broadcast %reduce_or3A : f32 to vector<512x1xf32>
        %reduce_or3A_107 = vector.broadcast %reduce_or3A_105 : f32 to vector<512x1xf32>
        %reduce_or3A_108 = arith.select %and3A, %reduce_or3A_106, %reduce_or3A_107 : vector<512x1xi1>, vector<512x1xf32>
        %reduce_or3A_109 = vector.shape_cast %reduce_or3A_108 : vector<512x1xf32> to vector<1x512x1xf32>
        %reduce_or3A_110 = arith.constant dense<0xFF800000> : vector<1xf32>
        %reduce_or3A_111 = vector.multi_reduction <maximumf>, %reduce_or3A_109, %reduce_or3A_110 [1, 2] : vector<1x512x1xf32> to vector<1xf32>
        %reduce_or3A_112 = vector.shape_cast %reduce_or3A_111 : vector<1xf32> to vector<1x1x1xf32>
        %reduce_or3A_113 = vector.extract %reduce_or3A_112[0, 0, 0] : f32 from vector<1x1x1xf32>
        %reduce_or3A_114 = arith.constant 0.000000e+00 : f32
        %reduce_or3A_115 = arith.cmpf ogt, %reduce_or3A_113, %reduce_or3A_114 : f32
        scf.yield %add3A_104, %reduce_or3A_115, %add3A_102, %select_n3A_96, %select_n3A_101 : i32, i1, vector<512x1xi32>, vector<512x32xi32>, vector<512x256xi32>
      }
      %add3A_77 = arith.constant 1 : i32
      %add3A_78 = arith.addi %while3A_33, %add3A_77 : i32
      scf.yield %add3A_78, %while3A_76#2, %while3A_76#3 : i32, vector<512x1xi32>, vector<512x32xi32>
    }
    %ge3A = vector.broadcast %while3A_20#1 : vector<512x1xi32> to vector<512x32xi32>
    %ge3A_21 = arith.cmpi sge, %iota3A, %ge3A : vector<512x32xi32>
    %slice3A = vector.extract_strided_slice %while3A_20#2 {offsets = [0, 0], sizes = [512, 1], strides = [1, 1]} : vector<512x32xi32> to vector<512x1xi32>
    %broadcast_in_dim3A_22 = vector.shape_cast %slice3A : vector<512x1xi32> to vector<512x1xi32>
    %broadcast_in_dim3A_23 = vector.broadcast %broadcast_in_dim3A_22 : vector<512x1xi32> to vector<512x32xi32>
    %select_n3A = arith.select %ge3A_21, %broadcast_in_dim3A_23, %while3A_20#2 : vector<512x32xi1>, vector<512x32xi32>
    %mul3A_24 = arith.constant 16384 : i32
    %mul3A_25 = arith.muli %arg0, %mul3A_24 : i32
    %add3A_26 = vector.broadcast %mul3A_25 : i32 to vector<512x32xi32>
    %add3A_27 = arith.addi %select_n3A, %add3A_26 : vector<512x32xi32>
    %swap3A = arith.constant 0 : index
    %swap3A_28 = arith.constant 0 : index
    %swap3A_29 = arith.constant 0 : index
    %swap3A_30 = vector.load %arg5[%swap3A, %swap3A_28, %swap3A_29] : memref<1x512x32xi32, #tpu.memory_space<vmem>>, vector<1x512x32xi32>
    %swap3A_31 = vector.shape_cast %swap3A_30 : vector<1x512x32xi32> to vector<512x32xi32>
    %swap3A_32 = vector.shape_cast %add3A_27 : vector<512x32xi32> to vector<1x512x32xi32>
    tpu.vector_store %arg5[%swap3A, %swap3A_28, %swap3A_29], %swap3A_32 {strides = array<i32>} : memref<1x512x32xi32, #tpu.memory_space<vmem>>, vector<1x512x32xi32>,
    return
  }
  func.func @transform_0(%arg0: i32) -> (i32, i32, i32) {
    %c0_i32 = arith.constant 0 : i32
    %c0_i32_0 = arith.constant 0 : i32
    %c0_i32_1 = arith.constant 0 : i32
    return %arg0, %c0_i32, %c0_i32_0 : i32, i32, i32
  }
  func.func @transform_1(%arg0: i32) -> (i32, i32, i32) {
    %c0_i32 = arith.constant 0 : i32
    %c0_i32_0 = arith.constant 0 : i32
    %c0_i32_1 = arith.constant 0 : i32
    return %arg0, %c0_i32, %c0_i32_0 : i32, i32, i32
  }
  func.func @transform_2(%arg0: i32) -> (i32, i32, i32) {
    %c0_i32 = arith.constant 0 : i32
    %c0_i32_0 = arith.constant 0 : i32
    %c0_i32_1 = arith.constant 0 : i32
    return %arg0, %c0_i32, %c0_i32_0 : i32, i32, i32
  }
  func.func @transform_3(%arg0: i32) -> (i32, i32, i32) {
    %c0_i32 = arith.constant 0 : i32
    %c0_i32_0 = arith.constant 0 : i32
    %c0_i32_1 = arith.constant 0 : i32
    return %arg0, %c0_i32, %c0_i32_0 : i32, i32, i32
  }
  func.func @transform_4(%arg0: i32) -> (i32, i32, i32) {
    %c0_i32 = arith.constant 0 : i32
    %c0_i32_0 = arith.constant 0 : i32
    %c0_i32_1 = arith.constant 0 : i32
    return %arg0, %c0_i32, %c0_i32_0 : i32, i32, i32
  }
}

module attributes {stable_mosaic.version = 14 : i64} {
  func.func @_p1_body(%arg0: i32, %arg1: memref<256x32x16xf32, #tpu.memory_space<vmem>>, %arg2: memref<256x16xf32, #tpu.memory_space<vmem>>, %arg3: memref<16x32xf32, #tpu.memory_space<vmem>>, %arg4: memref<1x32xf32, #tpu.memory_space<vmem>>, %arg5: memref<8192x32xf32, #tpu.memory_space<vmem>>, %arg6: memref<1x32xf32, #tpu.memory_space<vmem>>, %arg7: memref<1x32xf32, #tpu.memory_space<vmem>>, %arg8: memref<1x32xf32, #tpu.memory_space<vmem>>, %arg9: memref<1x32xf32, #tpu.memory_space<vmem>>) attributes {dimension_semantics = [#tpu.dimension_semantics<arbitrary>], iteration_bounds = array<i64: 16>, scalar_prefetch = 0 : i64, scratch_operands = 2 : i64, tpu.core_type = #tpu.core_type<tc>, window_params = [{transform_indices = @transform_0, window_bounds = array<i64: 256, 32, 16>}, {transform_indices = @transform_1, window_bounds = array<i64: 256, 16>}, {pipeline_mode = #tpu.pipeline_mode<synchronous>, transform_indices = @transform_2, window_bounds = array<i64: 16, 32>}, {pipeline_mode = #tpu.pipeline_mode<synchronous>, transform_indices = @transform_3, window_bounds = array<i64: 1, 32>}, {transform_indices = @transform_4, window_bounds = array<i64: 8192, 32>}, {pipeline_mode = #tpu.pipeline_mode<synchronous>, transform_indices = @transform_5, window_bounds = array<i64: 1, 32>}, {pipeline_mode = #tpu.pipeline_mode<synchronous>, transform_indices = @transform_6, window_bounds = array<i64: 1, 32>}]} {
    %get3A = arith.constant 0 : index
    %get3A_0 = arith.constant 0 : index
    %get3A_1 = arith.constant 0 : index
    %get3A_2 = vector.load %arg1[%get3A, %get3A_0, %get3A_1] : memref<256x32x16xf32, #tpu.memory_space<vmem>>, vector<256x32x16xf32>
    %get3A_3 = arith.constant 0 : index
    %get3A_4 = arith.constant 0 : index
    %get3A_5 = vector.load %arg2[%get3A_3, %get3A_4] : memref<256x16xf32, #tpu.memory_space<vmem>>, vector<256x16xf32>
    %broadcast_in_dim3A = vector.shape_cast %get3A_5 : vector<256x16xf32> to vector<256x1x16xf32>
    %sub3A = vector.broadcast %broadcast_in_dim3A : vector<256x1x16xf32> to vector<256x32x16xf32>
    %sub3A_6 = arith.subf %get3A_2, %sub3A : vector<256x32x16xf32>
    %reshape3A = vector.shape_cast %sub3A_6 : vector<256x32x16xf32> to vector<8192x16xf32>
    %get3A_7 = arith.constant 0 : index
    %get3A_8 = arith.constant 0 : index
    %get3A_9 = vector.load %arg3[%get3A_7, %get3A_8] : memref<16x32xf32, #tpu.memory_space<vmem>>, vector<16x32xf32>
    %dot_general3A = arith.constant dense<0.000000e+00> : vector<8192x32xf32>
    %dot_general3A_10 = tpu.matmul %reshape3A, %get3A_9, %dot_general3A {dimension_numbers = #tpu.dot_dimension_numbers<[1], [0], [0], [1], [0, 0, 1, 1], [], []>, transpose_lhs_hint = false} : vector<8192x16xf32>, vector<16x32xf32>, vector<8192x32xf32> -> vector<8192x32xf32>
    %get3A_11 = arith.constant 0 : index
    %get3A_12 = arith.constant 0 : index
    %get3A_13 = vector.load %arg4[%get3A_11, %get3A_12] : memref<1x32xf32, #tpu.memory_space<vmem>>, vector<1x32xf32>
    %add3A = vector.broadcast %get3A_13 : vector<1x32xf32> to vector<8192x32xf32>
    %add3A_14 = arith.addf %dot_general3A_10, %add3A : vector<8192x32xf32>
    %swap3A = arith.constant 0 : index
    %swap3A_15 = arith.constant 0 : index
    %swap3A_16 = vector.load %arg5[%swap3A, %swap3A_15] : memref<8192x32xf32, #tpu.memory_space<vmem>>, vector<8192x32xf32>
    tpu.vector_store %arg5[%swap3A, %swap3A_15], %add3A_14 {strides = array<i32>} : memref<8192x32xf32, #tpu.memory_space<vmem>>, vector<8192x32xf32>,
    %eq3A = arith.constant 0 : i32
    %eq3A_17 = arith.cmpi eq, %arg0, %eq3A : i32
    %convert_element_type3A = arith.extui %eq3A_17 : i1 to i32
    %cond3A = arith.constant 0 : i32
    %cond3A_18 = arith.cmpi ne, %convert_element_type3A, %cond3A : i32
    scf.if %cond3A_18 {
      %broadcast_in_dim3A_43 = arith.constant 0.000000e+00 : f32
      %broadcast_in_dim3A_44 = vector.broadcast %broadcast_in_dim3A_43 : f32 to vector<1x32xf32>
      %swap3A_45 = arith.constant 0 : index
      %swap3A_46 = arith.constant 0 : index
      %swap3A_47 = vector.load %arg8[%swap3A_45, %swap3A_46] : memref<1x32xf32, #tpu.memory_space<vmem>>, vector<1x32xf32>
      tpu.vector_store %arg8[%swap3A_45, %swap3A_46], %broadcast_in_dim3A_44 {strides = array<i32>} : memref<1x32xf32, #tpu.memory_space<vmem>>, vector<1x32xf32>,
      %broadcast_in_dim3A_48 = arith.constant 0.000000e+00 : f32
      %broadcast_in_dim3A_49 = vector.broadcast %broadcast_in_dim3A_48 : f32 to vector<1x32xf32>
      %swap3A_50 = arith.constant 0 : index
      %swap3A_51 = arith.constant 0 : index
      %swap3A_52 = vector.load %arg9[%swap3A_50, %swap3A_51] : memref<1x32xf32, #tpu.memory_space<vmem>>, vector<1x32xf32>
      tpu.vector_store %arg9[%swap3A_50, %swap3A_51], %broadcast_in_dim3A_49 {strides = array<i32>} : memref<1x32xf32, #tpu.memory_space<vmem>>, vector<1x32xf32>,
    } else {
    }
    %get3A_19 = arith.constant 0 : index
    %get3A_20 = arith.constant 0 : index
    %get3A_21 = vector.load %arg8[%get3A_19, %get3A_20] : memref<1x32xf32, #tpu.memory_space<vmem>>, vector<1x32xf32>
    %reduce_sum3A = arith.constant dense<0.000000e+00> : vector<32xf32>
    %reduce_sum3A_22 = vector.multi_reduction <add>, %add3A_14, %reduce_sum3A [0] : vector<8192x32xf32> to vector<32xf32>
    %broadcast_in_dim3A_23 = vector.shape_cast %reduce_sum3A_22 : vector<32xf32> to vector<1x32xf32>
    %add3A_24 = arith.addf %get3A_21, %broadcast_in_dim3A_23 : vector<1x32xf32>
    %swap3A_25 = arith.constant 0 : index
    %swap3A_26 = arith.constant 0 : index
    %swap3A_27 = vector.load %arg8[%swap3A_25, %swap3A_26] : memref<1x32xf32, #tpu.memory_space<vmem>>, vector<1x32xf32>
    tpu.vector_store %arg8[%swap3A_25, %swap3A_26], %add3A_24 {strides = array<i32>} : memref<1x32xf32, #tpu.memory_space<vmem>>, vector<1x32xf32>,
    %get3A_28 = arith.constant 0 : index
    %get3A_29 = arith.constant 0 : index
    %get3A_30 = vector.load %arg9[%get3A_28, %get3A_29] : memref<1x32xf32, #tpu.memory_space<vmem>>, vector<1x32xf32>
    %mul3A = arith.mulf %add3A_14, %add3A_14 : vector<8192x32xf32>
    %reduce_sum3A_31 = arith.constant dense<0.000000e+00> : vector<32xf32>
    %reduce_sum3A_32 = vector.multi_reduction <add>, %mul3A, %reduce_sum3A_31 [0] : vector<8192x32xf32> to vector<32xf32>
    %broadcast_in_dim3A_33 = vector.shape_cast %reduce_sum3A_32 : vector<32xf32> to vector<1x32xf32>
    %add3A_34 = arith.addf %get3A_30, %broadcast_in_dim3A_33 : vector<1x32xf32>
    %swap3A_35 = arith.constant 0 : index
    %swap3A_36 = arith.constant 0 : index
    %swap3A_37 = vector.load %arg9[%swap3A_35, %swap3A_36] : memref<1x32xf32, #tpu.memory_space<vmem>>, vector<1x32xf32>
    tpu.vector_store %arg9[%swap3A_35, %swap3A_36], %add3A_34 {strides = array<i32>} : memref<1x32xf32, #tpu.memory_space<vmem>>, vector<1x32xf32>,
    %eq3A_38 = arith.constant 15 : i32
    %eq3A_39 = arith.cmpi eq, %arg0, %eq3A_38 : i32
    %convert_element_type3A_40 = arith.extui %eq3A_39 : i1 to i32
    %cond3A_41 = arith.constant 0 : i32
    %cond3A_42 = arith.cmpi ne, %convert_element_type3A_40, %cond3A_41 : i32
    scf.if %cond3A_42 {
      %get3A_43 = arith.constant 0 : index
      %get3A_44 = arith.constant 0 : index
      %get3A_45 = vector.load %arg8[%get3A_43, %get3A_44] : memref<1x32xf32, #tpu.memory_space<vmem>>, vector<1x32xf32>
      %swap3A_46 = arith.constant 0 : index
      %swap3A_47 = arith.constant 0 : index
      %swap3A_48 = vector.load %arg6[%swap3A_46, %swap3A_47] : memref<1x32xf32, #tpu.memory_space<vmem>>, vector<1x32xf32>
      tpu.vector_store %arg6[%swap3A_46, %swap3A_47], %get3A_45 {strides = array<i32>} : memref<1x32xf32, #tpu.memory_space<vmem>>, vector<1x32xf32>,
      %get3A_49 = arith.constant 0 : index
      %get3A_50 = arith.constant 0 : index
      %get3A_51 = vector.load %arg9[%get3A_49, %get3A_50] : memref<1x32xf32, #tpu.memory_space<vmem>>, vector<1x32xf32>
      %swap3A_52 = arith.constant 0 : index
      %swap3A_53 = arith.constant 0 : index
      %swap3A_54 = vector.load %arg7[%swap3A_52, %swap3A_53] : memref<1x32xf32, #tpu.memory_space<vmem>>, vector<1x32xf32>
      tpu.vector_store %arg7[%swap3A_52, %swap3A_53], %get3A_51 {strides = array<i32>} : memref<1x32xf32, #tpu.memory_space<vmem>>, vector<1x32xf32>,
    } else {
    }
    return
  }
  func.func @transform_0(%arg0: i32) -> (i32, i32, i32) {
    %c0_i32 = arith.constant 0 : i32
    %c0_i32_0 = arith.constant 0 : i32
    %c0_i32_1 = arith.constant 0 : i32
    return %arg0, %c0_i32, %c0_i32_0 : i32, i32, i32
  }
  func.func @transform_1(%arg0: i32) -> (i32, i32) {
    %c0_i32 = arith.constant 0 : i32
    %c0_i32_0 = arith.constant 0 : i32
    return %arg0, %c0_i32 : i32, i32
  }
  func.func @transform_2(%arg0: i32) -> (i32, i32) {
    %c0_i32 = arith.constant 0 : i32
    %c0_i32_0 = arith.constant 0 : i32
    %c0_i32_1 = arith.constant 0 : i32
    return %c0_i32, %c0_i32_0 : i32, i32
  }
  func.func @transform_3(%arg0: i32) -> (i32, i32) {
    %c0_i32 = arith.constant 0 : i32
    %c0_i32_0 = arith.constant 0 : i32
    %c0_i32_1 = arith.constant 0 : i32
    return %c0_i32, %c0_i32_0 : i32, i32
  }
  func.func @transform_4(%arg0: i32) -> (i32, i32) {
    %c0_i32 = arith.constant 0 : i32
    %c0_i32_0 = arith.constant 0 : i32
    return %arg0, %c0_i32 : i32, i32
  }
  func.func @transform_5(%arg0: i32) -> (i32, i32) {
    %c0_i32 = arith.constant 0 : i32
    %c0_i32_0 = arith.constant 0 : i32
    %c0_i32_1 = arith.constant 0 : i32
    return %c0_i32, %c0_i32_0 : i32, i32
  }
  func.func @transform_6(%arg0: i32) -> (i32, i32) {
    %c0_i32 = arith.constant 0 : i32
    %c0_i32_0 = arith.constant 0 : i32
    %c0_i32_1 = arith.constant 0 : i32
    return %c0_i32, %c0_i32_0 : i32, i32
  }
}

module attributes {stable_mosaic.version = 14 : i64} {
  func.func @_pmid_body(%arg0: i32, %arg1: memref<8192x32xf32, #tpu.memory_space<vmem>>, %arg2: memref<1x32xf32, #tpu.memory_space<vmem>>, %arg3: memref<1x32xf32, #tpu.memory_space<vmem>>, %arg4: memref<32x32xf32, #tpu.memory_space<vmem>>, %arg5: memref<1x32xf32, #tpu.memory_space<vmem>>, %arg6: memref<8192x32xf32, #tpu.memory_space<vmem>>, %arg7: memref<1x32xf32, #tpu.memory_space<vmem>>, %arg8: memref<1x32xf32, #tpu.memory_space<vmem>>, %arg9: memref<1x32xf32, #tpu.memory_space<vmem>>, %arg10: memref<1x32xf32, #tpu.memory_space<vmem>>) attributes {dimension_semantics = [#tpu.dimension_semantics<arbitrary>], iteration_bounds = array<i64: 16>, scalar_prefetch = 0 : i64, scratch_operands = 2 : i64, tpu.core_type = #tpu.core_type<tc>, window_params = [{transform_indices = @transform_0, window_bounds = array<i64: 8192, 32>}, {pipeline_mode = #tpu.pipeline_mode<synchronous>, transform_indices = @transform_1, window_bounds = array<i64: 1, 32>}, {pipeline_mode = #tpu.pipeline_mode<synchronous>, transform_indices = @transform_2, window_bounds = array<i64: 1, 32>}, {pipeline_mode = #tpu.pipeline_mode<synchronous>, transform_indices = @transform_3, window_bounds = array<i64: 32, 32>}, {pipeline_mode = #tpu.pipeline_mode<synchronous>, transform_indices = @transform_4, window_bounds = array<i64: 1, 32>}, {transform_indices = @transform_5, window_bounds = array<i64: 8192, 32>}, {pipeline_mode = #tpu.pipeline_mode<synchronous>, transform_indices = @transform_6, window_bounds = array<i64: 1, 32>}, {pipeline_mode = #tpu.pipeline_mode<synchronous>, transform_indices = @transform_7, window_bounds = array<i64: 1, 32>}]} {
    %get3A = arith.constant 0 : index
    %get3A_0 = arith.constant 0 : index
    %get3A_1 = vector.load %arg1[%get3A, %get3A_0] : memref<8192x32xf32, #tpu.memory_space<vmem>>, vector<8192x32xf32>
    %get3A_2 = arith.constant 0 : index
    %get3A_3 = arith.constant 0 : index
    %get3A_4 = vector.load %arg2[%get3A_2, %get3A_3] : memref<1x32xf32, #tpu.memory_space<vmem>>, vector<1x32xf32>
    %mul3A = vector.broadcast %get3A_4 : vector<1x32xf32> to vector<8192x32xf32>
    %mul3A_5 = arith.mulf %get3A_1, %mul3A : vector<8192x32xf32>
    %get3A_6 = arith.constant 0 : index
    %get3A_7 = arith.constant 0 : index
    %get3A_8 = vector.load %arg3[%get3A_6, %get3A_7] : memref<1x32xf32, #tpu.memory_space<vmem>>, vector<1x32xf32>
    %add3A = vector.broadcast %get3A_8 : vector<1x32xf32> to vector<8192x32xf32>
    %add3A_9 = arith.addf %mul3A_5, %add3A : vector<8192x32xf32>
    %max3A = arith.constant 0.000000e+00 : f32
    %max3A_10 = vector.broadcast %max3A : f32 to vector<8192x32xf32>
    %max3A_11 = arith.maximumf %add3A_9, %max3A_10 : vector<8192x32xf32>
    %get3A_12 = arith.constant 0 : index
    %get3A_13 = arith.constant 0 : index
    %get3A_14 = vector.load %arg4[%get3A_12, %get3A_13] : memref<32x32xf32, #tpu.memory_space<vmem>>, vector<32x32xf32>
    %dot_general3A = arith.constant dense<0.000000e+00> : vector<8192x32xf32>
    %dot_general3A_15 = tpu.matmul %max3A_11, %get3A_14, %dot_general3A {dimension_numbers = #tpu.dot_dimension_numbers<[1], [0], [0], [1], [0, 0, 1, 1], [], []>, transpose_lhs_hint = false} : vector<8192x32xf32>, vector<32x32xf32>, vector<8192x32xf32> -> vector<8192x32xf32>
    %get3A_16 = arith.constant 0 : index
    %get3A_17 = arith.constant 0 : index
    %get3A_18 = vector.load %arg5[%get3A_16, %get3A_17] : memref<1x32xf32, #tpu.memory_space<vmem>>, vector<1x32xf32>
    %add3A_19 = vector.broadcast %get3A_18 : vector<1x32xf32> to vector<8192x32xf32>
    %add3A_20 = arith.addf %dot_general3A_15, %add3A_19 : vector<8192x32xf32>
    %swap3A = arith.constant 0 : index
    %swap3A_21 = arith.constant 0 : index
    %swap3A_22 = vector.load %arg6[%swap3A, %swap3A_21] : memref<8192x32xf32, #tpu.memory_space<vmem>>, vector<8192x32xf32>
    tpu.vector_store %arg6[%swap3A, %swap3A_21], %add3A_20 {strides = array<i32>} : memref<8192x32xf32, #tpu.memory_space<vmem>>, vector<8192x32xf32>,
    %eq3A = arith.constant 0 : i32
    %eq3A_23 = arith.cmpi eq, %arg0, %eq3A : i32
    %convert_element_type3A = arith.extui %eq3A_23 : i1 to i32
    %cond3A = arith.constant 0 : i32
    %cond3A_24 = arith.cmpi ne, %convert_element_type3A, %cond3A : i32
    scf.if %cond3A_24 {
      %broadcast_in_dim3A_49 = arith.constant 0.000000e+00 : f32
      %broadcast_in_dim3A_50 = vector.broadcast %broadcast_in_dim3A_49 : f32 to vector<1x32xf32>
      %swap3A_51 = arith.constant 0 : index
      %swap3A_52 = arith.constant 0 : index
      %swap3A_53 = vector.load %arg9[%swap3A_51, %swap3A_52] : memref<1x32xf32, #tpu.memory_space<vmem>>, vector<1x32xf32>
      tpu.vector_store %arg9[%swap3A_51, %swap3A_52], %broadcast_in_dim3A_50 {strides = array<i32>} : memref<1x32xf32, #tpu.memory_space<vmem>>, vector<1x32xf32>,
      %broadcast_in_dim3A_54 = arith.constant 0.000000e+00 : f32
      %broadcast_in_dim3A_55 = vector.broadcast %broadcast_in_dim3A_54 : f32 to vector<1x32xf32>
      %swap3A_56 = arith.constant 0 : index
      %swap3A_57 = arith.constant 0 : index
      %swap3A_58 = vector.load %arg10[%swap3A_56, %swap3A_57] : memref<1x32xf32, #tpu.memory_space<vmem>>, vector<1x32xf32>
      tpu.vector_store %arg10[%swap3A_56, %swap3A_57], %broadcast_in_dim3A_55 {strides = array<i32>} : memref<1x32xf32, #tpu.memory_space<vmem>>, vector<1x32xf32>,
    } else {
    }
    %get3A_25 = arith.constant 0 : index
    %get3A_26 = arith.constant 0 : index
    %get3A_27 = vector.load %arg9[%get3A_25, %get3A_26] : memref<1x32xf32, #tpu.memory_space<vmem>>, vector<1x32xf32>
    %reduce_sum3A = arith.constant dense<0.000000e+00> : vector<32xf32>
    %reduce_sum3A_28 = vector.multi_reduction <add>, %add3A_20, %reduce_sum3A [0] : vector<8192x32xf32> to vector<32xf32>
    %broadcast_in_dim3A = vector.shape_cast %reduce_sum3A_28 : vector<32xf32> to vector<1x32xf32>
    %add3A_29 = arith.addf %get3A_27, %broadcast_in_dim3A : vector<1x32xf32>
    %swap3A_30 = arith.constant 0 : index
    %swap3A_31 = arith.constant 0 : index
    %swap3A_32 = vector.load %arg9[%swap3A_30, %swap3A_31] : memref<1x32xf32, #tpu.memory_space<vmem>>, vector<1x32xf32>
    tpu.vector_store %arg9[%swap3A_30, %swap3A_31], %add3A_29 {strides = array<i32>} : memref<1x32xf32, #tpu.memory_space<vmem>>, vector<1x32xf32>,
    %get3A_33 = arith.constant 0 : index
    %get3A_34 = arith.constant 0 : index
    %get3A_35 = vector.load %arg10[%get3A_33, %get3A_34] : memref<1x32xf32, #tpu.memory_space<vmem>>, vector<1x32xf32>
    %mul3A_36 = arith.mulf %add3A_20, %add3A_20 : vector<8192x32xf32>
    %reduce_sum3A_37 = arith.constant dense<0.000000e+00> : vector<32xf32>
    %reduce_sum3A_38 = vector.multi_reduction <add>, %mul3A_36, %reduce_sum3A_37 [0] : vector<8192x32xf32> to vector<32xf32>
    %broadcast_in_dim3A_39 = vector.shape_cast %reduce_sum3A_38 : vector<32xf32> to vector<1x32xf32>
    %add3A_40 = arith.addf %get3A_35, %broadcast_in_dim3A_39 : vector<1x32xf32>
    %swap3A_41 = arith.constant 0 : index
    %swap3A_42 = arith.constant 0 : index
    %swap3A_43 = vector.load %arg10[%swap3A_41, %swap3A_42] : memref<1x32xf32, #tpu.memory_space<vmem>>, vector<1x32xf32>
    tpu.vector_store %arg10[%swap3A_41, %swap3A_42], %add3A_40 {strides = array<i32>} : memref<1x32xf32, #tpu.memory_space<vmem>>, vector<1x32xf32>,
    %eq3A_44 = arith.constant 15 : i32
    %eq3A_45 = arith.cmpi eq, %arg0, %eq3A_44 : i32
    %convert_element_type3A_46 = arith.extui %eq3A_45 : i1 to i32
    %cond3A_47 = arith.constant 0 : i32
    %cond3A_48 = arith.cmpi ne, %convert_element_type3A_46, %cond3A_47 : i32
    scf.if %cond3A_48 {
      %get3A_49 = arith.constant 0 : index
      %get3A_50 = arith.constant 0 : index
      %get3A_51 = vector.load %arg9[%get3A_49, %get3A_50] : memref<1x32xf32, #tpu.memory_space<vmem>>, vector<1x32xf32>
      %swap3A_52 = arith.constant 0 : index
      %swap3A_53 = arith.constant 0 : index
      %swap3A_54 = vector.load %arg7[%swap3A_52, %swap3A_53] : memref<1x32xf32, #tpu.memory_space<vmem>>, vector<1x32xf32>
      tpu.vector_store %arg7[%swap3A_52, %swap3A_53], %get3A_51 {strides = array<i32>} : memref<1x32xf32, #tpu.memory_space<vmem>>, vector<1x32xf32>,
      %get3A_55 = arith.constant 0 : index
      %get3A_56 = arith.constant 0 : index
      %get3A_57 = vector.load %arg10[%get3A_55, %get3A_56] : memref<1x32xf32, #tpu.memory_space<vmem>>, vector<1x32xf32>
      %swap3A_58 = arith.constant 0 : index
      %swap3A_59 = arith.constant 0 : index
      %swap3A_60 = vector.load %arg8[%swap3A_58, %swap3A_59] : memref<1x32xf32, #tpu.memory_space<vmem>>, vector<1x32xf32>
      tpu.vector_store %arg8[%swap3A_58, %swap3A_59], %get3A_57 {strides = array<i32>} : memref<1x32xf32, #tpu.memory_space<vmem>>, vector<1x32xf32>,
    } else {
    }
    return
  }
  func.func @transform_0(%arg0: i32) -> (i32, i32) {
    %c0_i32 = arith.constant 0 : i32
    %c0_i32_0 = arith.constant 0 : i32
    return %arg0, %c0_i32 : i32, i32
  }
  func.func @transform_1(%arg0: i32) -> (i32, i32) {
    %c0_i32 = arith.constant 0 : i32
    %c0_i32_0 = arith.constant 0 : i32
    %c0_i32_1 = arith.constant 0 : i32
    return %c0_i32, %c0_i32_0 : i32, i32
  }
  func.func @transform_2(%arg0: i32) -> (i32, i32) {
    %c0_i32 = arith.constant 0 : i32
    %c0_i32_0 = arith.constant 0 : i32
    %c0_i32_1 = arith.constant 0 : i32
    return %c0_i32, %c0_i32_0 : i32, i32
  }
  func.func @transform_3(%arg0: i32) -> (i32, i32) {
    %c0_i32 = arith.constant 0 : i32
    %c0_i32_0 = arith.constant 0 : i32
    %c0_i32_1 = arith.constant 0 : i32
    return %c0_i32, %c0_i32_0 : i32, i32
  }
  func.func @transform_4(%arg0: i32) -> (i32, i32) {
    %c0_i32 = arith.constant 0 : i32
    %c0_i32_0 = arith.constant 0 : i32
    %c0_i32_1 = arith.constant 0 : i32
    return %c0_i32, %c0_i32_0 : i32, i32
  }
  func.func @transform_5(%arg0: i32) -> (i32, i32) {
    %c0_i32 = arith.constant 0 : i32
    %c0_i32_0 = arith.constant 0 : i32
    return %arg0, %c0_i32 : i32, i32
  }
  func.func @transform_6(%arg0: i32) -> (i32, i32) {
    %c0_i32 = arith.constant 0 : i32
    %c0_i32_0 = arith.constant 0 : i32
    %c0_i32_1 = arith.constant 0 : i32
    return %c0_i32, %c0_i32_0 : i32, i32
  }
  func.func @transform_7(%arg0: i32) -> (i32, i32) {
    %c0_i32 = arith.constant 0 : i32
    %c0_i32_0 = arith.constant 0 : i32
    %c0_i32_1 = arith.constant 0 : i32
    return %c0_i32, %c0_i32_0 : i32, i32
  }
}

module attributes {stable_mosaic.version = 14 : i64} {
  func.func @_pmid_body(%arg0: i32, %arg1: memref<8192x32xf32, #tpu.memory_space<vmem>>, %arg2: memref<1x32xf32, #tpu.memory_space<vmem>>, %arg3: memref<1x32xf32, #tpu.memory_space<vmem>>, %arg4: memref<32x64xf32, #tpu.memory_space<vmem>>, %arg5: memref<1x64xf32, #tpu.memory_space<vmem>>, %arg6: memref<8192x64xf32, #tpu.memory_space<vmem>>, %arg7: memref<1x64xf32, #tpu.memory_space<vmem>>, %arg8: memref<1x64xf32, #tpu.memory_space<vmem>>, %arg9: memref<1x64xf32, #tpu.memory_space<vmem>>, %arg10: memref<1x64xf32, #tpu.memory_space<vmem>>) attributes {dimension_semantics = [#tpu.dimension_semantics<arbitrary>], iteration_bounds = array<i64: 16>, scalar_prefetch = 0 : i64, scratch_operands = 2 : i64, tpu.core_type = #tpu.core_type<tc>, window_params = [{transform_indices = @transform_0, window_bounds = array<i64: 8192, 32>}, {pipeline_mode = #tpu.pipeline_mode<synchronous>, transform_indices = @transform_1, window_bounds = array<i64: 1, 32>}, {pipeline_mode = #tpu.pipeline_mode<synchronous>, transform_indices = @transform_2, window_bounds = array<i64: 1, 32>}, {pipeline_mode = #tpu.pipeline_mode<synchronous>, transform_indices = @transform_3, window_bounds = array<i64: 32, 64>}, {pipeline_mode = #tpu.pipeline_mode<synchronous>, transform_indices = @transform_4, window_bounds = array<i64: 1, 64>}, {transform_indices = @transform_5, window_bounds = array<i64: 8192, 64>}, {pipeline_mode = #tpu.pipeline_mode<synchronous>, transform_indices = @transform_6, window_bounds = array<i64: 1, 64>}, {pipeline_mode = #tpu.pipeline_mode<synchronous>, transform_indices = @transform_7, window_bounds = array<i64: 1, 64>}]} {
    %get3A = arith.constant 0 : index
    %get3A_0 = arith.constant 0 : index
    %get3A_1 = vector.load %arg1[%get3A, %get3A_0] : memref<8192x32xf32, #tpu.memory_space<vmem>>, vector<8192x32xf32>
    %get3A_2 = arith.constant 0 : index
    %get3A_3 = arith.constant 0 : index
    %get3A_4 = vector.load %arg2[%get3A_2, %get3A_3] : memref<1x32xf32, #tpu.memory_space<vmem>>, vector<1x32xf32>
    %mul3A = vector.broadcast %get3A_4 : vector<1x32xf32> to vector<8192x32xf32>
    %mul3A_5 = arith.mulf %get3A_1, %mul3A : vector<8192x32xf32>
    %get3A_6 = arith.constant 0 : index
    %get3A_7 = arith.constant 0 : index
    %get3A_8 = vector.load %arg3[%get3A_6, %get3A_7] : memref<1x32xf32, #tpu.memory_space<vmem>>, vector<1x32xf32>
    %add3A = vector.broadcast %get3A_8 : vector<1x32xf32> to vector<8192x32xf32>
    %add3A_9 = arith.addf %mul3A_5, %add3A : vector<8192x32xf32>
    %max3A = arith.constant 0.000000e+00 : f32
    %max3A_10 = vector.broadcast %max3A : f32 to vector<8192x32xf32>
    %max3A_11 = arith.maximumf %add3A_9, %max3A_10 : vector<8192x32xf32>
    %get3A_12 = arith.constant 0 : index
    %get3A_13 = arith.constant 0 : index
    %get3A_14 = vector.load %arg4[%get3A_12, %get3A_13] : memref<32x64xf32, #tpu.memory_space<vmem>>, vector<32x64xf32>
    %dot_general3A = arith.constant dense<0.000000e+00> : vector<8192x64xf32>
    %dot_general3A_15 = tpu.matmul %max3A_11, %get3A_14, %dot_general3A {dimension_numbers = #tpu.dot_dimension_numbers<[1], [0], [0], [1], [0, 0, 1, 1], [], []>, transpose_lhs_hint = false} : vector<8192x32xf32>, vector<32x64xf32>, vector<8192x64xf32> -> vector<8192x64xf32>
    %get3A_16 = arith.constant 0 : index
    %get3A_17 = arith.constant 0 : index
    %get3A_18 = vector.load %arg5[%get3A_16, %get3A_17] : memref<1x64xf32, #tpu.memory_space<vmem>>, vector<1x64xf32>
    %add3A_19 = vector.broadcast %get3A_18 : vector<1x64xf32> to vector<8192x64xf32>
    %add3A_20 = arith.addf %dot_general3A_15, %add3A_19 : vector<8192x64xf32>
    %swap3A = arith.constant 0 : index
    %swap3A_21 = arith.constant 0 : index
    %swap3A_22 = vector.load %arg6[%swap3A, %swap3A_21] : memref<8192x64xf32, #tpu.memory_space<vmem>>, vector<8192x64xf32>
    tpu.vector_store %arg6[%swap3A, %swap3A_21], %add3A_20 {strides = array<i32>} : memref<8192x64xf32, #tpu.memory_space<vmem>>, vector<8192x64xf32>,
    %eq3A = arith.constant 0 : i32
    %eq3A_23 = arith.cmpi eq, %arg0, %eq3A : i32
    %convert_element_type3A = arith.extui %eq3A_23 : i1 to i32
    %cond3A = arith.constant 0 : i32
    %cond3A_24 = arith.cmpi ne, %convert_element_type3A, %cond3A : i32
    scf.if %cond3A_24 {
      %broadcast_in_dim3A_49 = arith.constant 0.000000e+00 : f32
      %broadcast_in_dim3A_50 = vector.broadcast %broadcast_in_dim3A_49 : f32 to vector<1x64xf32>
      %swap3A_51 = arith.constant 0 : index
      %swap3A_52 = arith.constant 0 : index
      %swap3A_53 = vector.load %arg9[%swap3A_51, %swap3A_52] : memref<1x64xf32, #tpu.memory_space<vmem>>, vector<1x64xf32>
      tpu.vector_store %arg9[%swap3A_51, %swap3A_52], %broadcast_in_dim3A_50 {strides = array<i32>} : memref<1x64xf32, #tpu.memory_space<vmem>>, vector<1x64xf32>,
      %broadcast_in_dim3A_54 = arith.constant 0.000000e+00 : f32
      %broadcast_in_dim3A_55 = vector.broadcast %broadcast_in_dim3A_54 : f32 to vector<1x64xf32>
      %swap3A_56 = arith.constant 0 : index
      %swap3A_57 = arith.constant 0 : index
      %swap3A_58 = vector.load %arg10[%swap3A_56, %swap3A_57] : memref<1x64xf32, #tpu.memory_space<vmem>>, vector<1x64xf32>
      tpu.vector_store %arg10[%swap3A_56, %swap3A_57], %broadcast_in_dim3A_55 {strides = array<i32>} : memref<1x64xf32, #tpu.memory_space<vmem>>, vector<1x64xf32>,
    } else {
    }
    %get3A_25 = arith.constant 0 : index
    %get3A_26 = arith.constant 0 : index
    %get3A_27 = vector.load %arg9[%get3A_25, %get3A_26] : memref<1x64xf32, #tpu.memory_space<vmem>>, vector<1x64xf32>
    %reduce_sum3A = arith.constant dense<0.000000e+00> : vector<64xf32>
    %reduce_sum3A_28 = vector.multi_reduction <add>, %add3A_20, %reduce_sum3A [0] : vector<8192x64xf32> to vector<64xf32>
    %broadcast_in_dim3A = vector.shape_cast %reduce_sum3A_28 : vector<64xf32> to vector<1x64xf32>
    %add3A_29 = arith.addf %get3A_27, %broadcast_in_dim3A : vector<1x64xf32>
    %swap3A_30 = arith.constant 0 : index
    %swap3A_31 = arith.constant 0 : index
    %swap3A_32 = vector.load %arg9[%swap3A_30, %swap3A_31] : memref<1x64xf32, #tpu.memory_space<vmem>>, vector<1x64xf32>
    tpu.vector_store %arg9[%swap3A_30, %swap3A_31], %add3A_29 {strides = array<i32>} : memref<1x64xf32, #tpu.memory_space<vmem>>, vector<1x64xf32>,
    %get3A_33 = arith.constant 0 : index
    %get3A_34 = arith.constant 0 : index
    %get3A_35 = vector.load %arg10[%get3A_33, %get3A_34] : memref<1x64xf32, #tpu.memory_space<vmem>>, vector<1x64xf32>
    %mul3A_36 = arith.mulf %add3A_20, %add3A_20 : vector<8192x64xf32>
    %reduce_sum3A_37 = arith.constant dense<0.000000e+00> : vector<64xf32>
    %reduce_sum3A_38 = vector.multi_reduction <add>, %mul3A_36, %reduce_sum3A_37 [0] : vector<8192x64xf32> to vector<64xf32>
    %broadcast_in_dim3A_39 = vector.shape_cast %reduce_sum3A_38 : vector<64xf32> to vector<1x64xf32>
    %add3A_40 = arith.addf %get3A_35, %broadcast_in_dim3A_39 : vector<1x64xf32>
    %swap3A_41 = arith.constant 0 : index
    %swap3A_42 = arith.constant 0 : index
    %swap3A_43 = vector.load %arg10[%swap3A_41, %swap3A_42] : memref<1x64xf32, #tpu.memory_space<vmem>>, vector<1x64xf32>
    tpu.vector_store %arg10[%swap3A_41, %swap3A_42], %add3A_40 {strides = array<i32>} : memref<1x64xf32, #tpu.memory_space<vmem>>, vector<1x64xf32>,
    %eq3A_44 = arith.constant 15 : i32
    %eq3A_45 = arith.cmpi eq, %arg0, %eq3A_44 : i32
    %convert_element_type3A_46 = arith.extui %eq3A_45 : i1 to i32
    %cond3A_47 = arith.constant 0 : i32
    %cond3A_48 = arith.cmpi ne, %convert_element_type3A_46, %cond3A_47 : i32
    scf.if %cond3A_48 {
      %get3A_49 = arith.constant 0 : index
      %get3A_50 = arith.constant 0 : index
      %get3A_51 = vector.load %arg9[%get3A_49, %get3A_50] : memref<1x64xf32, #tpu.memory_space<vmem>>, vector<1x64xf32>
      %swap3A_52 = arith.constant 0 : index
      %swap3A_53 = arith.constant 0 : index
      %swap3A_54 = vector.load %arg7[%swap3A_52, %swap3A_53] : memref<1x64xf32, #tpu.memory_space<vmem>>, vector<1x64xf32>
      tpu.vector_store %arg7[%swap3A_52, %swap3A_53], %get3A_51 {strides = array<i32>} : memref<1x64xf32, #tpu.memory_space<vmem>>, vector<1x64xf32>,
      %get3A_55 = arith.constant 0 : index
      %get3A_56 = arith.constant 0 : index
      %get3A_57 = vector.load %arg10[%get3A_55, %get3A_56] : memref<1x64xf32, #tpu.memory_space<vmem>>, vector<1x64xf32>
      %swap3A_58 = arith.constant 0 : index
      %swap3A_59 = arith.constant 0 : index
      %swap3A_60 = vector.load %arg8[%swap3A_58, %swap3A_59] : memref<1x64xf32, #tpu.memory_space<vmem>>, vector<1x64xf32>
      tpu.vector_store %arg8[%swap3A_58, %swap3A_59], %get3A_57 {strides = array<i32>} : memref<1x64xf32, #tpu.memory_space<vmem>>, vector<1x64xf32>,
    } else {
    }
    return
  }
  func.func @transform_0(%arg0: i32) -> (i32, i32) {
    %c0_i32 = arith.constant 0 : i32
    %c0_i32_0 = arith.constant 0 : i32
    return %arg0, %c0_i32 : i32, i32
  }
  func.func @transform_1(%arg0: i32) -> (i32, i32) {
    %c0_i32 = arith.constant 0 : i32
    %c0_i32_0 = arith.constant 0 : i32
    %c0_i32_1 = arith.constant 0 : i32
    return %c0_i32, %c0_i32_0 : i32, i32
  }
  func.func @transform_2(%arg0: i32) -> (i32, i32) {
    %c0_i32 = arith.constant 0 : i32
    %c0_i32_0 = arith.constant 0 : i32
    %c0_i32_1 = arith.constant 0 : i32
    return %c0_i32, %c0_i32_0 : i32, i32
  }
  func.func @transform_3(%arg0: i32) -> (i32, i32) {
    %c0_i32 = arith.constant 0 : i32
    %c0_i32_0 = arith.constant 0 : i32
    %c0_i32_1 = arith.constant 0 : i32
    return %c0_i32, %c0_i32_0 : i32, i32
  }
  func.func @transform_4(%arg0: i32) -> (i32, i32) {
    %c0_i32 = arith.constant 0 : i32
    %c0_i32_0 = arith.constant 0 : i32
    %c0_i32_1 = arith.constant 0 : i32
    return %c0_i32, %c0_i32_0 : i32, i32
  }
  func.func @transform_5(%arg0: i32) -> (i32, i32) {
    %c0_i32 = arith.constant 0 : i32
    %c0_i32_0 = arith.constant 0 : i32
    return %arg0, %c0_i32 : i32, i32
  }
  func.func @transform_6(%arg0: i32) -> (i32, i32) {
    %c0_i32 = arith.constant 0 : i32
    %c0_i32_0 = arith.constant 0 : i32
    %c0_i32_1 = arith.constant 0 : i32
    return %c0_i32, %c0_i32_0 : i32, i32
  }
  func.func @transform_7(%arg0: i32) -> (i32, i32) {
    %c0_i32 = arith.constant 0 : i32
    %c0_i32_0 = arith.constant 0 : i32
    %c0_i32_1 = arith.constant 0 : i32
    return %c0_i32, %c0_i32_0 : i32, i32
  }
}

module attributes {stable_mosaic.version = 14 : i64} {
  func.func @_p4_body(%arg0: i32, %arg1: memref<256x32x64xf32, #tpu.memory_space<vmem>>, %arg2: memref<1x64xf32, #tpu.memory_space<vmem>>, %arg3: memref<1x64xf32, #tpu.memory_space<vmem>>, %arg4: memref<256x64xf32, #tpu.memory_space<vmem>>) attributes {dimension_semantics = [#tpu.dimension_semantics<arbitrary>], iteration_bounds = array<i64: 16>, scalar_prefetch = 0 : i64, scratch_operands = 0 : i64, tpu.core_type = #tpu.core_type<tc>, window_params = [{transform_indices = @transform_0, window_bounds = array<i64: 256, 32, 64>}, {pipeline_mode = #tpu.pipeline_mode<synchronous>, transform_indices = @transform_1, window_bounds = array<i64: 1, 64>}, {pipeline_mode = #tpu.pipeline_mode<synchronous>, transform_indices = @transform_2, window_bounds = array<i64: 1, 64>}, {transform_indices = @transform_3, window_bounds = array<i64: 256, 64>}]} {
    %get3A = arith.constant 0 : index
    %get3A_0 = arith.constant 0 : index
    %get3A_1 = arith.constant 0 : index
    %get3A_2 = vector.load %arg1[%get3A, %get3A_0, %get3A_1] : memref<256x32x64xf32, #tpu.memory_space<vmem>>, vector<256x32x64xf32>
    %get3A_3 = arith.constant 0 : index
    %get3A_4 = arith.constant 0 : index
    %get3A_5 = vector.load %arg2[%get3A_3, %get3A_4] : memref<1x64xf32, #tpu.memory_space<vmem>>, vector<1x64xf32>
    %broadcast_in_dim3A = vector.shape_cast %get3A_5 : vector<1x64xf32> to vector<1x1x64xf32>
    %mul3A = vector.broadcast %broadcast_in_dim3A : vector<1x1x64xf32> to vector<256x32x64xf32>
    %mul3A_6 = arith.mulf %get3A_2, %mul3A : vector<256x32x64xf32>
    %get3A_7 = arith.constant 0 : index
    %get3A_8 = arith.constant 0 : index
    %get3A_9 = vector.load %arg3[%get3A_7, %get3A_8] : memref<1x64xf32, #tpu.memory_space<vmem>>, vector<1x64xf32>
    %broadcast_in_dim3A_10 = vector.shape_cast %get3A_9 : vector<1x64xf32> to vector<1x1x64xf32>
    %add3A = vector.broadcast %broadcast_in_dim3A_10 : vector<1x1x64xf32> to vector<256x32x64xf32>
    %add3A_11 = arith.addf %mul3A_6, %add3A : vector<256x32x64xf32>
    %max3A = arith.constant 0.000000e+00 : f32
    %max3A_12 = vector.broadcast %max3A : f32 to vector<256x32x64xf32>
    %max3A_13 = arith.maximumf %add3A_11, %max3A_12 : vector<256x32x64xf32>
    %reduce_max3A = arith.constant dense<0xFF800000> : vector<256x64xf32>
    %reduce_max3A_14 = vector.multi_reduction <maximumf>, %max3A_13, %reduce_max3A [1] : vector<256x32x64xf32> to vector<256x64xf32>
    %swap3A = arith.constant 0 : index
    %swap3A_15 = arith.constant 0 : index
    %swap3A_16 = vector.load %arg4[%swap3A, %swap3A_15] : memref<256x64xf32, #tpu.memory_space<vmem>>, vector<256x64xf32>
    tpu.vector_store %arg4[%swap3A, %swap3A_15], %reduce_max3A_14 {strides = array<i32>} : memref<256x64xf32, #tpu.memory_space<vmem>>, vector<256x64xf32>,
    return
  }
  func.func @transform_0(%arg0: i32) -> (i32, i32, i32) {
    %c0_i32 = arith.constant 0 : i32
    %c0_i32_0 = arith.constant 0 : i32
    %c0_i32_1 = arith.constant 0 : i32
    return %arg0, %c0_i32, %c0_i32_0 : i32, i32, i32
  }
  func.func @transform_1(%arg0: i32) -> (i32, i32) {
    %c0_i32 = arith.constant 0 : i32
    %c0_i32_0 = arith.constant 0 : i32
    %c0_i32_1 = arith.constant 0 : i32
    return %c0_i32, %c0_i32_0 : i32, i32
  }
  func.func @transform_2(%arg0: i32) -> (i32, i32) {
    %c0_i32 = arith.constant 0 : i32
    %c0_i32_0 = arith.constant 0 : i32
    %c0_i32_1 = arith.constant 0 : i32
    return %c0_i32, %c0_i32_0 : i32, i32
  }
  func.func @transform_3(%arg0: i32) -> (i32, i32) {
    %c0_i32 = arith.constant 0 : i32
    %c0_i32_0 = arith.constant 0 : i32
    return %arg0, %c0_i32 : i32, i32
  }
}

</mosaic_0001>

<sc_bundles>
// kernel: kernel.9.cloned.1.call-start
scs
__scs_entry_jumppad:
0x0: {  	(pc) =	sbr.rel $0x88, $3  }
0x1: {  	(tag) =	ssettag $0x0;
	lr =	simm.s32 $0x1  }
0x2: {  	[smem:$0x3F93] =	sst lr;
	_ =	strace $0xD0000000  }
0x3: {  	_ = 	snop  }
0x4: {  	_ = 	snop  }
0x5: {  	_ = 	snop  }
0x6: {  	_ = 	snop  }
0x7: {  	_ = 	snop  }
__scs_overlays_trampoline_lowered:
0x8: {  	[smem:$0x3FA2] =	sst s0  }
0x9: {  	[smem:$0x3FA3] =	sst s1  }
0xa: {  	[smem:$0x3FA4] =	sst s2  }
0xb: {  	[smem:$0x3FA5] =	sst s3  }
0xc: {  	[smem:$0x3FA6] =	sst s4  }
0xd: {  	[smem:$0x3FA7] =	sst s5  }
0xe: {  	[smem:$0x3FA8] =	sst s6  }
0xf: {  	[smem:$0x3FA9] =	sst s7  }
0x10: {  	[smem:$0x3FAA] =	sst s8  }
0x11: {  	[smem:$0x3FAB] =	sst s9;
	s0 =	simm.s32 @!p0 $0x0  }
0x12: {  	s1 =	sld [smem:$0x3F91];
	s0 =	simm.s32 @p0 $0x1  }
0x13: {  	[smem:$0x3FAC] =	sst s0;
	s0 =	simm.s32 @!p1 $0x0  }
0x14: {  	s2 =	sld [smem:$0x3F90];
	s0 =	simm.s32 @p1 $0x1  }
0x15: {  	[smem:$0x3FAD] =	sst s0;
	s0 =	simm.s32 @!p2 $0x0  }
0x16: {  	s3 =	sld [smem:$0x3FDB];
	s0 =	simm.s32 @p2 $0x1  }
0x17: {  	s4 =	simm.s32 $0x1BF5;
	[smem:$0x3FAF] =	sst s0  }
0x18: {  	s0 =	sld [smem:$0x3F92];
	_ =	swait.ge [sflag:s4], $0x0  }
0x19: {  	s7 =	sld [smem:$0x3F93]  }
0x1a: {  	s8 =	sadd.s32 $0xFFFFE003, lr  }
0x1b: {  	s9 =	sadd.s32 $0xFFFFFEF7, lr;
	s5 =	simm.s32 $0xFFFFFFFF;
	p2 =	slt.u32 s8, $0xFFFFF086  }
0x1c: {  	p1 =	slt.u32 s9, $0xF7A;
	s5 =	simm.s32 @!p2 $0x0  }
0x1d: {  	s5 =	simm.s32 @p1 $0x1;
	p0 =	seq.s32 s7, s2  }
0x1e: {  	s7 =	smul.u32 @!p0 $0xF7A, s2;
	p2 =	seq.s32 @!p0 s5, $0x0  }
0x1f: {  	s9 =	smul.u32 $0xF7A, s1;
	s8 =	simm.s32 @!p0 $0x1BF5;
	p2 =	por !p2, p0  }
0x20: {  	[sflag:s8] =	ssyncset.s32 @!p0 $0xFFFFF086;
	s6 =	sadd.s32 @!p0 s3, s7;
	s7 =	simm.s32 @!p0 $0x108  }
0x21: {  	s3 =	sadd.s32 s3, s9;
	s6 =	sadd.s32 @!p0 $0x88, s6;
	s7 =	simm.s32 @p2 $0x1082  }
0x22: {  	[simem:s7], [sflag:s8] =	dma.local @!p0 [hbm:s6], $0xF7A  }
0x23: {  	s9 =	sor.u32 $0xD0000000, s2;
	s6 =	simm.s32 $0x108;
	_ =	swait.ge @!p0 [sflag:s8], $0x0  }
0x24: {  	s3 =	sadd.s32 $0x88, s3;
	s6 =	simm.s32 @!p1 $0x1082;
	[sflag:s4] =	ssyncset.s32 $0xFFFFF086  }
0x25: {  	[simem:s6], [sflag:s4] =	dma.local [hbm:s3], $0xF7A  }
0x26: {  	[smem:$0x3F93] =	sst s1;
	(tag) =	ssettag s2;
	_ =	strace s9  }
0x27: {  	s1 =	sld [smem:$0x3FA3]  }
0x28: {  	s2 =	sld [smem:$0x3FA4]  }
0x29: {  	s4 =	sld [smem:$0x3FA6]  }
0x2a: {  	p0 =	seq.s32 s5, $0x0;
	s5 =	sld [smem:$0x3FA7]  }
0x2b: {  	s6 =	sld [smem:$0x3FA8]  }
0x2c: {  	s7 =	sld [smem:$0x3FA9]  }
0x2d: {  	s3 =	simm.s32 $0x108;
	s8 =	sld [smem:$0x3FAA]  }
0x2e: {  	s3 =	simm.s32 @!p0 $0x1082;
	s9 =	sld [smem:$0x3FAB]  }
0x2f: {  	lr =	sadd.s32 s0, s3;
	s0 =	sld [smem:$0x3FA2]  }
0x30: {  	s3 =	sld [smem:$0x3FA5]  }
0x31: {  	[smem:$0x3FAE] =	sst s10  }
0x32: {  	s10 =	sld [smem:$0x3FAC];
	_ =	sdelay $0x3  }
0x33: {  	p0 =	seq.s32 s10, $0x1;
	s10 =	sld [smem:$0x3FAE];
	_ =	sdelay $0x3  }
0x34: {  	[smem:$0x3FAE] =	sst s10  }
0x35: {  	s10 =	sld [smem:$0x3FAD];
	_ =	sdelay $0x3  }
0x36: {  	p1 =	seq.s32 s10, $0x1;
	s10 =	sld [smem:$0x3FAE];
	_ =	sdelay $0x3  }
0x37: {  	[smem:$0x3FAE] =	sst s10  }
0x38: {  	s10 =	sld [smem:$0x3FAF]  }
0x39: {  	_ = 	snop;
	(pc) =	sbr.ind lr, $3  }
0x3a: {  	_ = 	snop  }
0x3b: {  	_ = 	snop  }
0x3c: {  	p2 =	seq.s32 s10, $0x1;
	s10 =	sld [smem:$0x3FAE]  }
0x3d: {  	_ =	shalt  }
0x3e: {  	_ =	shalt  }
0x3f: {  	_ =	shalt  }
0x40: {  	_ =	shalt  }
0x41: {  	_ =	shalt  }
0x42: {  	_ =	shalt  }
0x43: {  	_ =	shalt  }
0x44: {  	_ =	shalt  }
0x45: {  	_ =	shalt  }
0x46: {  	_ =	shalt  }
0x47: {  	_ =	shalt  }
0x48: {  	_ =	shalt  }
0x49: {  	_ =	shalt  }
0x4a: {  	_ =	shalt  }
0x4b: {  	_ =	shalt  }
0x4c: {  	_ =	shalt  }
0x4d: {  	_ =	shalt  }
0x4e: {  	_ =	shalt  }
0x4f: {  	_ =	shalt  }
0x50: {  	_ =	shalt  }
0x51: {  	_ =	shalt  }
0x52: {  	_ =	shalt  }
0x53: {  	_ =	shalt  }
0x54: {  	_ =	shalt  }
0x55: {  	_ =	shalt  }
0x56: {  	_ =	shalt  }
0x57: {  	_ =	shalt  }
0x58: {  	_ =	shalt  }
0x59: {  	_ =	shalt  }
0x5a: {  	_ =	shalt  }
0x5b: {  	_ =	shalt  }
0x5c: {  	_ =	shalt  }
0x5d: {  	_ =	shalt  }
0x5e: {  	_ =	shalt  }
0x5f: {  	_ =	shalt  }
0x60: {  	_ =	shalt  }
0x61: {  	_ =	shalt  }
0x62: {  	_ =	shalt  }
0x63: {  	_ =	shalt  }
0x64: {  	_ =	shalt  }
0x65: {  	_ =	shalt  }
0x66: {  	_ =	shalt  }
0x67: {  	_ =	shalt  }
0x68: {  	_ =	shalt  }
0x69: {  	_ =	shalt  }
0x6a: {  	_ =	shalt  }
0x6b: {  	_ =	shalt  }
0x6c: {  	_ =	shalt  }
0x6d: {  	_ =	shalt  }
0x6e: {  	_ =	shalt  }
0x6f: {  	_ =	shalt  }
0x70: {  	_ =	shalt  }
0x71: {  	_ =	shalt  }
0x72: {  	_ =	shalt  }
0x73: {  	_ =	shalt  }
0x74: {  	_ =	shalt  }
0x75: {  	_ =	shalt  }
0x76: {  	_ =	shalt  }
0x77: {  	_ =	shalt  }
0x78: {  	_ =	shalt  }
0x79: {  	_ =	shalt  }
0x7a: {  	_ =	shalt  }
0x7b: {  	_ =	shalt  }
0x7c: {  	_ =	shalt  }
0x7d: {  	_ =	shalt  }
0x7e: {  	_ =	shalt  }
0x7f: {  	_ =	shalt  }
0x80: {  	_ =	shalt  }
0x81: {  	_ =	shalt  }
0x82: {  	_ =	shalt  }
0x83: {  	_ =	shalt  }
0x84: {  	_ =	shalt  }
0x85: {  	_ =	shalt  }
0x86: {  	_ =	shalt  }
0x87: {  	_ =	shalt  }
.Lfunc_end0:
.L_simem_size_0:
called_computation_lowered:
.L_overlay_start_0:
0x88: {  	s2 =	sld [smem:$0x3FD9]  }
0x89: {  	s3 =	sld [smem:$0x3FFE];
	_ =	sdelay $0x1  }
0x8a: {  	s1 =	srdreg.scid  }
0x8b: {  	s0 =	sand.u32 $0x1, s1  }
0x8c: {  	s14 =	sshll.u32 s0, $0xA;
	s2 =	sadd.s32 s3, s2  }
0x8d: {  	s2 =	sadd.s32 s2, s14  }
0x8e: {  	[smem:$0x3FBA] =	sst s2  }
0x8f: {  	_ = 	snop  }
0x90: {  	s2 =	sld [smem:$0x3FD0];
	_ =	sdelay $0x2  }
0x91: {  	s15 =	simm.s32 $0xA;
	s4 =	simm.s32 $0x10  }
0x92: {  	[smem:s4], [sflag:s15] =	dma.local [hbm:s2], $0x1  }
0x93: {  	_ =	swait.eq [sflag:s15], $0x1  }
0x94: {  	[sflag:s15] =	ssyncset.done $0x0  }
0x95: {  	[sflag:s15] =	ssyncadd.s32 $0xFFFFFFFF  }
0x96: {  	s16 =	sld [smem:$0x11];
	(tm) =	ssettm $0x1  }
0x97: {  	s17 =	sld [smem:$0x3FFB];
	_ =	sdelay $0x3  }
0x98: {  	_ =	strace s17  }
0x99: {  	s3 =	sld [smem:$0x3FFC];
	_ =	sdelay $0x3  }
0x9a: {  	_ =	strace s3  }
0x9b: {  	s3 =	sld [smem:$0x3FFD];
	_ =	sdelay $0x3  }
0x9c: {  	_ =	strace s3  }
0x9d: {  	_ =	strace $0x8FFFFFFF  }
0x9e: {  	s18 =	sld [smem:$0x3FDB];
	_ =	sdelay $0x1  }
0x9f: {  	s19 =	simm.s32 $_scs_section_size  }
0xa0: {  	s5 =	simm.s32 $_size__tile_overlayer_lowered;
	s6 =	simm.s32 $_tile_overlayer_lowered  }
0xa1: {  	s22 =	simm.s32 $0x1BFF;
	s21 =	sshll.u32 s6, $0x1;
	s3 =	sadd.s32 s19, s18  }
0xa2: {  	s7 =	simm.s32 $0x0;
	s20 =	sshll.u32 s5, $0x1;
	s5 =	sadd.s32 s21, s3  }
0xa3: {  	[timem:s7], [sflag:s22] =	dma.local [hbm:s5], s20  }
0xa4: {  	_ =	swait.ge [sflag:s22], s20  }
0xa5: {  	s4 =	ssub.s32 $0x0, s20;
	[sflag:s22] =	ssyncset.done $0x0  }
0xa6: {  	[sflag:s22] =	ssyncadd.s32 s4;
	_ =	sdelay $0x1  }
0xa7: {  	s23 =	simm.s32 $0x1B8B  }
0xa8: {  	_ =	swait.ge [sflag:s23], $0x1  }
0xa9: {  	[sflag:s23] =	ssyncset.done $0x0  }
0xaa: {  	s25 =	simm.s32 $0x1B8E;
	s24 =	sld [smem:$0x3FFE];
	[sflag:s23] =	ssyncadd.s32 $0xFFFFFFFF  }
0xab: {  	s26 =	simm.s32 $execute0_lowered;
	[smem:$0x3FD2] =	sst s25  }
0xac: {  	s5 =	sshll.u32 s26, $0x1;
	_ =	strace $0x80000046;
	[dreg:$0x1] =	wrdreg $0xFFFFFFFF  }
0xad: {  	s28 =	simm.s32 $_size_execute0_lowered;
	s3 =	sadd.s32 s3, s5;
	[dreg:$0x0] =	wrdreg $0x0  }
0xae: {  	s5 =	sshll.u32 s28, $0x1;
	[dreg:$0x2] =	wrdreg s3  }
0xaf: {  	[dreg:$0x3] =	wrdreg s5  }
0xb0: {  	[dreg:$0x4] =	wrdreg $0xC0  }
0xb1: {  	_ =	task [dreg:s7], $0x5FFFF  }
0xb2: {  	[dreg:$0x1] =	wrdreg $0xFFFFFFFF  }
0xb3: {  	[dreg:$0x0] =	wrdreg $0x60  }
0xb4: {  	[dreg:$0x2] =	wrdreg s24  }
0xb5: {  	[dreg:$0x3] =	wrdreg s16  }
0xb6: {  	[dreg:$0x4] =	wrdreg $0x9  }
0xb7: {  	_ =	task.clear_ibuf [dreg:s7], $0x5FFFF;
	_ =	strace $0x90000046  }
0xb8: {  	s29 =	simm.s32 $0x9;
	_ =	strace $0x80000048  }
0xb9: {  	_ =	swait.ge [sflag:s29], $0x1  }
0xba: {  	[sflag:s29] =	ssyncadd.s32 $0xFFFFFFFF  }
0xbb: {  	_ =	strace $0x90000048  }
0xbc: {  	_ =	sfence  }
0xbd: {  	s30 =	sld [smem:$0x0];
	_ =	sdelay $0x2  }
0xbe: {  	s31 =	sshll.u32 s1, $0xD;
	s1 =	sshrl.u32 s1, $0x2  }
0xbf: {  	s3 =	sand.u32 $0x4000, s31;
	s1 =	sadd.s32 s1, s30  }
0xc0: {  	s0 =	sor.u32 s3, s0;
	s1 =	sshll.u32 s1, $0x11  }
0xc1: {  	s0 =	sor.u32 s1, s0  }
0xc2: {  	s0 =	sadd.s32 $0x8F2B, s0  }
0xc3: {  	[sflag:s0] =	ssyncadd.remote.s32 $0x1  }
0xc4: {  	_ =	sfence.sel $0xFFFF  }
0xc5: {  	[dreg:$0x0] =	wrdreg $0xFFFFFFFF;
	(pc) =	sbr.abs _section_cstart, $3  }
0xc6: {  	[dreg:$0x1] =	wrdreg $0xFFFFFFFF  }
0xc7: {  	_ =	task.clear_ibuf [dreg:s7], $0x2FFFF;
	_ =	strace $0x9FFFFFFF  }
0xc8: {  	(tm) =	ssettm $0x7FFFFFFF  }
0xc9: {  	_ =	shalt  }
tec
execute0_lowered:
.L_overlay_start_1:
0x0: {  	(tag) =	ssettag $0x1  }
0x1: {  	s4 =	rddreg [dreg:$0x0]  }
0x2: {  	s5 =	rddreg [dreg:$0x1]  }
0x3: {  	s0 =	rddreg [dreg:$0x2];
	s2 =	simm.s32 $0x0;
	s1 =	stileid.u32  }
0x4: {  	s6 =	srdreg.scid;
	s11 =	simm.s32 $0x0;
	[smem:$0x7FF] =	sst s2  }
0x5: {  	s3 =	sadd.s32 $0x2C00, s4;
	s7 =	sshll.u32 s1, $0xE;
	s6 =	sand.u32 $0x1, s6  }
0x6: {  	s9 =	sshll.u32 s1, $0xD;
	_ =	strace $0x80000047;
	s8 =	ssub.s32 $0x2, s6  }
0x7: {  	s10 =	sshll.u32 s6, $0xC;
	s7 =	sadd.s32 s7, s4;
	s6 =	sshll.u32 s6, $0xD  }
0x8: {  	s30 =	sshrl.u32 s8, $0x1;
	s9 =	sor.u32 s10, s9;
	s6 =	sadd.s32 s6, s7  }
0x9: {  	s7 =	simm.s32 $0x2;
	s10 =	simm.s32 $0x1;
	s8 =	ssub.s32 s8, s30  }
0xa: {  	s31 =	sshrl.u32 s9, $0x3;
	s6 =	sadd.s32 $0x42C00, s6;
	s9 =	simm.s32 $0x1000  }
0xb: {  	s4 =	sadd.s32 s5, s31;
	s5 =	smax.u32 s8, $0x1;
	s8 =	simm.s32 $0x80  }
.LBB2_1:
0xc: {  	[tilespmem:s2], [sflag:$0x2] =	stream.linear.gather [hbm4b:s4+s2], $0x1000, $0x38;
	[tilespmem:$0x1800] =	vst v63  }
0xd: {  	_ =	swait.ge [sflag:s7], $0x1000  }
0xe: {  	[sflag:s7] =	ssyncset.done $0x0  }
0xf: {  	[sflag:s7] =	ssyncadd.s32 $0xFFFFF000  }
0x10: {  	[tilespmem:s9], [sflag:$0x1] =	stream.indirect.gather [hbm4b:s3+s8], $0x10, s2, s8, $0xb8;
	[tilespmem:$0x1800] =	vst v63  }
0x11: {  	_ =	swait.ge [sflag:s10], $0x800  }
0x12: {  	[sflag:s10] =	ssyncset.done $0x0  }
0x13: {  	s12 =	sadd.s32 $0x0, s6;
	[sflag:s10] =	ssyncadd.s32 $0xFFFFF800  }
0x14: {  	[hbm4b:s12+s2] =	stream.linear.scatter [tilespmem:s9], [sflag:$0x2], $0x800, $0x38;
	[tilespmem:$0x1800] =	vst v63  }
0x15: {  	_ =	swait.ge [sflag:s7], $0x800  }
0x16: {  	s13 =	simm.s32 $0x0;
	s12 =	simm.s32 $0x100;
	[sflag:s7] =	ssyncset.done $0x0  }
.LBB2_2:
0x17: {  	p0 =	sne.s32 s12, $0x1F00;
	[sflag:s7] =	ssyncadd.s32 $0xFFFFF800;
	s13 =	sadd.s32 $0x80, s13  }
0x18: {  	[tilespmem:s9], [sflag:$0x1] =	stream.indirect.gather [hbm4b:s3+s8], $0x10, s13, s8, $0xb8;
	[tilespmem:$0x1800] =	vst v63  }
0x19: {  	s14 =	smov.u32 s12;
	s12 =	sadd.s32 $0x100, s12;
	_ =	swait.ge [sflag:s10], $0x800  }
.Ltmp0:
0x1a: {  	[sflag:s10] =	ssyncset.done $0x0;
	(pc) =	sbr.rel @p0 .LBB2_2-.Ltmp0, $4  }
0x1b: {  	s14 =	sadd.s32 s14, s6;
	[sflag:s10] =	ssyncadd.s32 $0xFFFFF800  }
0x1c: {  	[hbm4b:s14+s2] =	stream.linear.scatter [tilespmem:s9], [sflag:$0x2], $0x800, $0x38;
	[tilespmem:$0x1800] =	vst v63  }
0x1d: {  	_ =	swait.ge [sflag:s7], $0x800  }
0x1e: {  	[sflag:s7] =	ssyncset.done $0x0  }
0x1f: {  	s11 =	sadd.s32 $0x1, s11  }
0x20: {  	p0 =	sne.s32 s11, s5  }
.Ltmp1:
0x21: {  	_ = 	snop;
	(pc) =	sbr.rel @p0 .LBB2_1-.Ltmp1, $2  }
0x22: {  	_ =	sdelay $0x2  }
0x23: {  	[sflag:s7] =	ssyncadd.s32 $0xFFFFF800  }
0x24: {  	_ =	sfence.sel $0x180000  }
0x25: {  	[bflag:$0x0] =	sbarrier.arrive $0xFFFF  }
0x26: {  	p0 =	sne.s32 s1, $0x0;
	_ =	strace $0x90000047  }
0x27: {  	s0 =	sadd.s32 @!p0 $0x100000, s0;
	[bflag:$0x2] =	sbarrier.arrive $0xFFFF  }
0x28: {  	[sflag:s0] =	ssyncadd.tile.s32 @!p0 $0x1;
	_ =	shalt  }
.Lfunc_end2:
_tile_overlayer_lowered:
.L_overlay_start_2:
0x29: {  	(tag) =	ssettag $0x2  }
0x2a: {  	s0 =	rddreg [dreg:$0x0];
	s2 =	stileid.u32  }
0x2b: {  	s1 =	rddreg [dreg:$0x1];
	p0 =	sne.s32 s2, $0x0  }
0x2c: {  	s3 =	rddreg [dreg:$0x2];
	[bflag:$0x3] =	sbarrier.arrive $0xFFFF;
	s2 =	simm.s32 @!p0 $0x1C02  }
0x2d: {  	[timem:s3], [sflag:s2] =	dma.local @!p0 [hbm:s0], s1  }
0x2e: {  	s0 =	simm.s32 @!p0 $0x2  }
0x2f: {  	_ =	swait.ge @!p0 [sflag:s0], s1  }
0x30: {  	s1 =	ssub.s32 @!p0 $0x0, s1;
	[sflag:s0] =	ssyncset.done @!p0 $0x0  }
0x31: {  	[sflag:s0] =	ssyncadd.s32 @!p0 s1  }
0x32: {  	[bflag:$0x3] =	sbarrier.arrive $0xFFFF  }
0x33: {  	_ =	shalt  }

</sc_bundles>
